<compile_context>
chip_gen: v7x
topology: tpu7x:2x2x1
jax: 0.10.2.dev20260603
libtpu: 0.0.44.dev20260713+nightly
codegen_flags: <defaults>
</compile_context>

<pallas_src>
import functools

import numpy as np
import jax
import jax.numpy as jnp
from jax import lax
from jax.experimental import pallas as pl
from jax.experimental.pallas import tpu as pltpu
from jax.experimental.pallas import tpu_sc as plsc

_NBUF = 4


def _positional_encoding_np(seq_length: int, d: int, n: float = 10000.0) -> np.ndarray:
    k = np.arange(seq_length, dtype=np.float32)[:, None]
    i = np.arange(d // 2, dtype=np.float32)[None, :]
    denominator = np.power(np.float32(n), 2.0 * i / d).astype(np.float32)
    p = np.zeros((seq_length, d), dtype=np.float32)
    p[:, 0::2] = np.sin(k / denominator)
    p[:, 1::2] = np.cos(k / denominator)
    return p


@functools.lru_cache(maxsize=None)
def _build_sc_kernel(B: int, S: int, D: int):
    info = plsc.get_sparse_core_info()
    nc, ns = info.num_cores, info.num_subcores
    nw = nc * ns
    assert B % (nw * _NBUF) == 0 and D % 16 == 0 and (S * 4) % 8 == 0
    spw = B // nw

    mesh = plsc.VectorSubcoreMesh(core_axis_name="c", subcore_axis_name="s")

    @functools.partial(
        pl.kernel,
        mesh=mesh,
        compiler_params=pltpu.CompilerParams(use_tc_tiling_on_sc=False),
        out_type=jax.ShapeDtypeStruct((B, S, D), jnp.float32),
        scratch_types=[
            pltpu.VMEM((spw, S), jnp.int32),
            pltpu.VMEM((_NBUF, S, D), jnp.float32),
            pltpu.VMEM((S, D), jnp.float32),
        ]
        + [pltpu.SemaphoreType.DMA] * (2 * _NBUF),
    )
    def k(x_hbm, tab_hbm, pe_hbm, out_hbm, idx_v, rows_v, pe_v, *sems):
        sg, ss = sems[:_NBUF], sems[_NBUF:]
        wid = lax.axis_index("s") * nc + lax.axis_index("c")
        pltpu.sync_copy(x_hbm.at[pl.ds(wid * spw, spw)], idx_v)
        pltpu.sync_copy(pe_hbm, pe_v)

        def gather_start(i, b):
            pltpu.async_copy(tab_hbm.at[idx_v.at[i]], rows_v.at[b], sg[b])

        def store_copy(i, b):
            return pltpu.make_async_copy(
                rows_v.at[b], out_hbm.at[wid * spw + i], ss[b]
            )

        gather_start(0, 0)
        gather_start(1, 1)

        def group(g, carry):
            for k in range(_NBUF // 2):
                i = g * _NBUF + 2 * k
                b = 2 * k
                b1 = 2 * k + 1
                b2 = (b + 2) % _NBUF
                b3 = (b + 3) % _NBUF

                @pl.when(i + 2 < spw)
                def _start_n2():
                    @pl.when(i >= 2)
                    def _drain_s2():
                        store_copy(i - 2, b2).wait()

                    gather_start(i + 2, b2)

                @pl.when(i + 3 < spw)
                def _start_n3():
                    @pl.when(i >= 1)
                    def _drain_s3():
                        store_copy(i - 1, b3).wait()

                    gather_start(i + 3, b3)

                pltpu.make_async_copy(
                    tab_hbm.at[idx_v.at[i]], rows_v.at[b], sg[b]
                ).wait()
                pltpu.make_async_copy(
                    tab_hbm.at[idx_v.at[i + 1]], rows_v.at[b1], sg[b1]
                ).wait()

                def add_row(r, c2):
                    for t in range(D // 16):
                        sl = pl.ds(t * 16, 16)
                        pe16 = pe_v[r, sl]
                        rows_v[b, r, sl] = rows_v[b, r, sl] + pe16
                        rows_v[b1, r, sl] = rows_v[b1, r, sl] + pe16
                    return c2

                lax.fori_loop(0, S, add_row, 0, unroll=2)
                store_copy(i, b).start()
                store_copy(i + 1, b1).start()
            return carry

        lax.fori_loop(0, spw // _NBUF, group, 0)
        for bk in range(_NBUF):
            store_copy(spw - _NBUF + bk, bk).wait()

    return k


def kernel(x, emb_table):
    B, S = x.shape
    V, D = emb_table.shape
    pe = jnp.asarray(_positional_encoding_np(S, D))
    return _build_sc_kernel(B, S, D)(x.astype(jnp.int32), emb_table, pe)

# --- scband reference (transcript-rebuilt; emitter-appended) ---
"""Pipeline reference for scband-osembedding-77051713290320 (READ-ONLY COPY).

The authoritative reference and input builder live on the scoring server;
editing this copy changes nothing except your own understanding.
"""

import jax, jax.numpy as jnp
import numpy as np

VOC_SIZE = 1000000
EMB_DIM = 64
BATCH = 4096
SEQ = 200


def get_positional_encoding(seq_length, d, n=10000):
    k = jnp.arange(seq_length, dtype=jnp.float32)[:, None]
    i = jnp.arange(d // 2, dtype=jnp.float32)[None, :]
    denominator = jnp.power(float(n), 2.0 * i / d)
    P = jnp.zeros((seq_length, d), dtype=jnp.float32)
    P = P.at[:, 0::2].set(jnp.sin(k / denominator))
    P = P.at[:, 1::2].set(jnp.cos(k / denominator))
    return P


def setup_inputs(seed: int = 0) -> dict:
    key = jax.random.key(seed)
    k1, k2 = jax.random.split(key)
    x = jax.random.randint(k1, (BATCH, SEQ), 0, VOC_SIZE, dtype=jnp.int64 if jax.config.jax_enable_x64 else jnp.int32)
    emb_table = jax.random.normal(k2, (VOC_SIZE, EMB_DIM), dtype=jnp.float32)
    return {"x": x, "emb_table": emb_table}


def reference(x, emb_table):
    seq = x.shape[1]
    d_model = emb_table.shape[1]
    emb = jnp.take(emb_table, x, axis=0)
    pe = get_positional_encoding(seq, d_model)
    out = emb + pe[None, :, :]
    return out

if __name__ == "__main__":
    import jax
    _d = setup_inputs()
    print(jax.jit(kernel)(*tuple(_d.values())))

</pallas_src>

<mosaic_0001>
#map = affine_map<(d0, d1) -> (0, 0)>
#map1 = affine_map<(d0, d1) -> (0, 0, 0)>
module attributes {stable_mosaic.version = 14 : i64} {
  func.func @k(%arg0: i32, %arg1: i32, %arg2: memref<4096x200xi32, #tpu.memory_space<hbm>>, %arg3: memref<1000000x64xf32, #tpu.memory_space<hbm>>, %arg4: memref<200x64xf32, #tpu.memory_space<hbm>>, %arg5: memref<4096x200x64xf32, #tpu.memory_space<hbm>>, %arg6: memref<128x200xi32, #tpu.memory_space<vmem>>, %arg7: memref<4x200x64xf32, #tpu.memory_space<vmem>>, %arg8: memref<200x64xf32, #tpu.memory_space<vmem>>, %arg9: memref<!tpu.dma_semaphore, #tpu.memory_space<semaphore_mem>>, %arg10: memref<!tpu.dma_semaphore, #tpu.memory_space<semaphore_mem>>, %arg11: memref<!tpu.dma_semaphore, #tpu.memory_space<semaphore_mem>>, %arg12: memref<!tpu.dma_semaphore, #tpu.memory_space<semaphore_mem>>, %arg13: memref<!tpu.dma_semaphore, #tpu.memory_space<semaphore_mem>>, %arg14: memref<!tpu.dma_semaphore, #tpu.memory_space<semaphore_mem>>, %arg15: memref<!tpu.dma_semaphore, #tpu.memory_space<semaphore_mem>>, %arg16: memref<!tpu.dma_semaphore, #tpu.memory_space<semaphore_mem>>) attributes {dimension_semantics = [#tpu.dimension_semantics<core_parallel>, #tpu.dimension_semantics<subcore_parallel>], iteration_bounds = array<i64: 2, 16>, scalar_prefetch = 0 : i64, scratch_operands = 11 : i64, tpu.core_type = #tpu.core_type<sc_vector_subcore>, window_params = [{transform_indices = #map}, {transform_indices = #map}, {transform_indices = #map}, {transform_indices = #map1}]} {
    %mul3A = arith.constant 2 : i32
    %mul3A_0 = arith.muli %arg1, %mul3A : i32
    %add3A = arith.addi %mul3A_0, %arg0 : i32
    %mul3A_1 = arith.constant 128 : i32
    %mul3A_2 = arith.muli %add3A, %mul3A_1 : i32
    "tpu.region"() ({
      %run_scoped3A = tpu.sem_alloc : memref<!tpu.dma_semaphore, #tpu.memory_space<semaphore_mem>>
      %dma_start3A_114 = arith.constant 0 : i32
      %dma_start3A_115 = tpu.memref_slice %arg2[%mul3A_2, %dma_start3A_114] : memref<4096x200xi32, #tpu.memory_space<hbm>> -> memref<128x200xi32, #tpu.memory_space<hbm>>
      %dma_start3A_116 = arith.constant 0 : i32
      %dma_start3A_117 = tpu.memref_slice %arg2[%mul3A_2, %dma_start3A_116] : memref<4096x200xi32, #tpu.memory_space<hbm>> -> memref<128x200xi32, #tpu.memory_space<hbm>>
      tpu.enqueue_dma source(%dma_start3A_117 : memref<128x200xi32, #tpu.memory_space<hbm>>) target(%arg6 : memref<128x200xi32, #tpu.memory_space<vmem>>) target_semaphore(%run_scoped3A : memref<!tpu.dma_semaphore, #tpu.memory_space<semaphore_mem>>)
      %dma_wait3A_118 = arith.constant 0 : i32
      %dma_wait3A_119 = tpu.memref_slice %arg2[%mul3A_2, %dma_wait3A_118] : memref<4096x200xi32, #tpu.memory_space<hbm>> -> memref<128x200xi32, #tpu.memory_space<hbm>>
      %dma_wait3A_120 = arith.constant 0 : i32
      %dma_wait3A_121 = tpu.memref_slice %arg2[%mul3A_2, %dma_wait3A_120] : memref<4096x200xi32, #tpu.memory_space<hbm>> -> memref<128x200xi32, #tpu.memory_space<hbm>>
      tpu.wait_dma2 semaphore(%run_scoped3A : memref<!tpu.dma_semaphore, #tpu.memory_space<semaphore_mem>>) src(%dma_wait3A_121 : memref<128x200xi32, #tpu.memory_space<hbm>>) dst(%arg6 : memref<128x200xi32, #tpu.memory_space<vmem>>)
      tpu.yield
    }) : () -> ()
    "tpu.region"() ({
      %run_scoped3A = tpu.sem_alloc : memref<!tpu.dma_semaphore, #tpu.memory_space<semaphore_mem>>
      tpu.enqueue_dma source(%arg4 : memref<200x64xf32, #tpu.memory_space<hbm>>) target(%arg8 : memref<200x64xf32, #tpu.memory_space<vmem>>) target_semaphore(%run_scoped3A : memref<!tpu.dma_semaphore, #tpu.memory_space<semaphore_mem>>)
      tpu.wait_dma2 semaphore(%run_scoped3A : memref<!tpu.dma_semaphore, #tpu.memory_space<semaphore_mem>>) src(%arg4 : memref<200x64xf32, #tpu.memory_space<hbm>>) dst(%arg8 : memref<200x64xf32, #tpu.memory_space<vmem>>)
      tpu.yield
    }) : () -> ()
    %dma_start3A = arith.constant 0 : i32
    %dma_start3A_3 = arith.constant 0 : i32
    %dma_start3A_4 = arith.constant 0 : i32
    %dma_start3A_5 = arith.constant 0 : i32
    %dma_start3A_6 = tpu.memref_slice %arg7[%dma_start3A_3, %dma_start3A_4, %dma_start3A_5] : memref<4x200x64xf32, #tpu.memory_space<vmem>> -> memref<1x200x64xf32, #tpu.memory_space<vmem>>
    %dma_start3A_7 = tpu.memref_squeeze %dma_start3A_6 : memref<1x200x64xf32, #tpu.memory_space<vmem>> -> memref<200x64xf32, #tpu.memory_space<vmem>>
    %dma_start3A_8 = arith.constant 0 : i32
    %dma_start3A_9 = tpu.memref_slice %arg6[%dma_start3A, %dma_start3A_8] : memref<128x200xi32, #tpu.memory_space<vmem>> -> memref<1x200xi32, #tpu.memory_space<vmem>>
    %dma_start3A_10 = tpu.memref_squeeze %dma_start3A_9 : memref<1x200xi32, #tpu.memory_space<vmem>> -> memref<200xi32, #tpu.memory_space<vmem>>
    %dma_start3A_11 = arith.constant 0 : i32
    %dma_start3A_12 = arith.constant 0 : i32
    %dma_start3A_13 = tpu.memref_slice %arg3[%dma_start3A_11, %dma_start3A_12] : memref<1000000x64xf32, #tpu.memory_space<hbm>> -> memref<1000000x64xf32, #tpu.memory_space<hbm>>
    tpu.enqueue_indirect_dma source(%dma_start3A_13 : memref<1000000x64xf32, #tpu.memory_space<hbm>>) target(%dma_start3A_7 : memref<200x64xf32, #tpu.memory_space<vmem>>) offsets(%dma_start3A_10 : memref<200xi32, #tpu.memory_space<vmem>>) semaphore(%arg9 : memref<!tpu.dma_semaphore, #tpu.memory_space<semaphore_mem>>)
    %dma_start3A_14 = arith.constant 1 : i32
    %dma_start3A_15 = arith.constant 1 : i32
    %dma_start3A_16 = arith.constant 0 : i32
    %dma_start3A_17 = arith.constant 0 : i32
    %dma_start3A_18 = tpu.memref_slice %arg7[%dma_start3A_15, %dma_start3A_16, %dma_start3A_17] : memref<4x200x64xf32, #tpu.memory_space<vmem>> -> memref<1x200x64xf32, #tpu.memory_space<vmem>>
    %dma_start3A_19 = tpu.memref_squeeze %dma_start3A_18 : memref<1x200x64xf32, #tpu.memory_space<vmem>> -> memref<200x64xf32, #tpu.memory_space<vmem>>
    %dma_start3A_20 = arith.constant 0 : i32
    %dma_start3A_21 = tpu.memref_slice %arg6[%dma_start3A_14, %dma_start3A_20] : memref<128x200xi32, #tpu.memory_space<vmem>> -> memref<1x200xi32, #tpu.memory_space<vmem>>
    %dma_start3A_22 = tpu.memref_squeeze %dma_start3A_21 : memref<1x200xi32, #tpu.memory_space<vmem>> -> memref<200xi32, #tpu.memory_space<vmem>>
    %dma_start3A_23 = arith.constant 0 : i32
    %dma_start3A_24 = arith.constant 0 : i32
    %dma_start3A_25 = tpu.memref_slice %arg3[%dma_start3A_23, %dma_start3A_24] : memref<1000000x64xf32, #tpu.memory_space<hbm>> -> memref<1000000x64xf32, #tpu.memory_space<hbm>>
    tpu.enqueue_indirect_dma source(%dma_start3A_25 : memref<1000000x64xf32, #tpu.memory_space<hbm>>) target(%dma_start3A_19 : memref<200x64xf32, #tpu.memory_space<vmem>>) offsets(%dma_start3A_22 : memref<200xi32, #tpu.memory_space<vmem>>) semaphore(%arg10 : memref<!tpu.dma_semaphore, #tpu.memory_space<semaphore_mem>>)
    %scan3A = arith.constant 0 : i32
    %scan3A_26 = arith.constant 0 : i32
    %scan3A_27 = arith.constant 32 : i32
    %scan3A_28 = arith.addi %scan3A_26, %scan3A_27 : i32
    %scan3A_29 = arith.constant 1 : i32
    scf.for %scan3A_114 = %scan3A_26 to %scan3A_28 step %scan3A_29  : i32 {
      %mul3A_115 = arith.constant 4 : i32
      %mul3A_116 = arith.muli %scan3A_114, %mul3A_115 : i32
      %add3A_117 = arith.constant 0 : i32
      %add3A_118 = arith.addi %mul3A_116, %add3A_117 : i32
      %add3A_119 = arith.constant 2 : i32
      %add3A_120 = arith.addi %add3A_118, %add3A_119 : i32
      %lt3A = arith.constant 128 : i32
      %lt3A_121 = arith.cmpi slt, %add3A_120, %lt3A : i32
      %convert_element_type3A = arith.extui %lt3A_121 : i1 to i32
      %cond3A = arith.constant 0 : i32
      %cond3A_122 = arith.cmpi ne, %convert_element_type3A, %cond3A : i32
      scf.if %cond3A_122 {
        %ge3A = arith.constant 2 : i32
        %ge3A_292 = arith.cmpi sge, %add3A_118, %ge3A : i32
        %convert_element_type3A_293 = arith.extui %ge3A_292 : i1 to i32
        %cond3A_294 = arith.constant 0 : i32
        %cond3A_295 = arith.cmpi ne, %convert_element_type3A_293, %cond3A_294 : i32
        scf.if %cond3A_295 {
          %sub3A = arith.constant 2 : i32
          %sub3A_309 = arith.subi %add3A_118, %sub3A : i32
          %mul3A_310 = arith.constant 128 : i32
          %mul3A_311 = arith.muli %add3A, %mul3A_310 : i32
          %add3A_312 = arith.addi %mul3A_311, %sub3A_309 : i32
          %dma_wait3A_313 = arith.constant 2 : i32
          %dma_wait3A_314 = arith.constant 0 : i32
          %dma_wait3A_315 = arith.constant 0 : i32
          %dma_wait3A_316 = tpu.memref_slice %arg7[%dma_wait3A_313, %dma_wait3A_314, %dma_wait3A_315] : memref<4x200x64xf32, #tpu.memory_space<vmem>> -> memref<1x200x64xf32, #tpu.memory_space<vmem>>
          %dma_wait3A_317 = tpu.memref_squeeze %dma_wait3A_316 : memref<1x200x64xf32, #tpu.memory_space<vmem>> -> memref<200x64xf32, #tpu.memory_space<vmem>>
          %dma_wait3A_318 = arith.constant 0 : i32
          %dma_wait3A_319 = arith.constant 0 : i32
          %dma_wait3A_320 = tpu.memref_slice %arg5[%add3A_312, %dma_wait3A_318, %dma_wait3A_319] : memref<4096x200x64xf32, #tpu.memory_space<hbm>> -> memref<1x200x64xf32, #tpu.memory_space<hbm>>
          %dma_wait3A_321 = tpu.memref_squeeze %dma_wait3A_320 : memref<1x200x64xf32, #tpu.memory_space<hbm>> -> memref<200x64xf32, #tpu.memory_space<hbm>>
          %dma_wait3A_322 = arith.constant 0 : i32
          %dma_wait3A_323 = arith.constant 0 : i32
          %dma_wait3A_324 = tpu.memref_slice %arg5[%add3A_312, %dma_wait3A_322, %dma_wait3A_323] : memref<4096x200x64xf32, #tpu.memory_space<hbm>> -> memref<1x200x64xf32, #tpu.memory_space<hbm>>
          %dma_wait3A_325 = tpu.memref_squeeze %dma_wait3A_324 : memref<1x200x64xf32, #tpu.memory_space<hbm>> -> memref<200x64xf32, #tpu.memory_space<hbm>>
          %dma_wait3A_326 = arith.constant 0 : i32
          %dma_wait3A_327 = arith.constant 0 : i32
          %dma_wait3A_328 = tpu.memref_slice %arg7[%dma_wait3A_313, %dma_wait3A_326, %dma_wait3A_327] : memref<4x200x64xf32, #tpu.memory_space<vmem>> -> memref<1x200x64xf32, #tpu.memory_space<vmem>>
          %dma_wait3A_329 = tpu.memref_squeeze %dma_wait3A_328 : memref<1x200x64xf32, #tpu.memory_space<vmem>> -> memref<200x64xf32, #tpu.memory_space<vmem>>
          tpu.wait_dma2 semaphore(%arg15 : memref<!tpu.dma_semaphore, #tpu.memory_space<semaphore_mem>>) src(%dma_wait3A_329 : memref<200x64xf32, #tpu.memory_space<vmem>>) dst(%dma_wait3A_325 : memref<200x64xf32, #tpu.memory_space<hbm>>)
        } else {
        }
        %add3A_296 = arith.constant 2 : i32
        %add3A_297 = arith.addi %add3A_118, %add3A_296 : i32
        %dma_start3A_298 = arith.constant 2 : i32
        %dma_start3A_299 = arith.constant 0 : i32
        %dma_start3A_300 = arith.constant 0 : i32
        %dma_start3A_301 = tpu.memref_slice %arg7[%dma_start3A_298, %dma_start3A_299, %dma_start3A_300] : memref<4x200x64xf32, #tpu.memory_space<vmem>> -> memref<1x200x64xf32, #tpu.memory_space<vmem>>
        %dma_start3A_302 = tpu.memref_squeeze %dma_start3A_301 : memref<1x200x64xf32, #tpu.memory_space<vmem>> -> memref<200x64xf32, #tpu.memory_space<vmem>>
        %dma_start3A_303 = arith.constant 0 : i32
        %dma_start3A_304 = tpu.memref_slice %arg6[%add3A_297, %dma_start3A_303] : memref<128x200xi32, #tpu.memory_space<vmem>> -> memref<1x200xi32, #tpu.memory_space<vmem>>
        %dma_start3A_305 = tpu.memref_squeeze %dma_start3A_304 : memref<1x200xi32, #tpu.memory_space<vmem>> -> memref<200xi32, #tpu.memory_space<vmem>>
        %dma_start3A_306 = arith.constant 0 : i32
        %dma_start3A_307 = arith.constant 0 : i32
        %dma_start3A_308 = tpu.memref_slice %arg3[%dma_start3A_306, %dma_start3A_307] : memref<1000000x64xf32, #tpu.memory_space<hbm>> -> memref<1000000x64xf32, #tpu.memory_space<hbm>>
        tpu.enqueue_indirect_dma source(%dma_start3A_308 : memref<1000000x64xf32, #tpu.memory_space<hbm>>) target(%dma_start3A_302 : memref<200x64xf32, #tpu.memory_space<vmem>>) offsets(%dma_start3A_305 : memref<200xi32, #tpu.memory_space<vmem>>) semaphore(%arg11 : memref<!tpu.dma_semaphore, #tpu.memory_space<semaphore_mem>>)
      } else {
      }
      %add3A_123 = arith.constant 3 : i32
      %add3A_124 = arith.addi %add3A_118, %add3A_123 : i32
      %lt3A_125 = arith.constant 128 : i32
      %lt3A_126 = arith.cmpi slt, %add3A_124, %lt3A_125 : i32
      %convert_element_type3A_127 = arith.extui %lt3A_126 : i1 to i32
      %cond3A_128 = arith.constant 0 : i32
      %cond3A_129 = arith.cmpi ne, %convert_element_type3A_127, %cond3A_128 : i32
      scf.if %cond3A_129 {
        %ge3A = arith.constant 1 : i32
        %ge3A_292 = arith.cmpi sge, %add3A_118, %ge3A : i32
        %convert_element_type3A_293 = arith.extui %ge3A_292 : i1 to i32
        %cond3A_294 = arith.constant 0 : i32
        %cond3A_295 = arith.cmpi ne, %convert_element_type3A_293, %cond3A_294 : i32
        scf.if %cond3A_295 {
          %sub3A = arith.constant 1 : i32
          %sub3A_309 = arith.subi %add3A_118, %sub3A : i32
          %mul3A_310 = arith.constant 128 : i32
          %mul3A_311 = arith.muli %add3A, %mul3A_310 : i32
          %add3A_312 = arith.addi %mul3A_311, %sub3A_309 : i32
          %dma_wait3A_313 = arith.constant 3 : i32
          %dma_wait3A_314 = arith.constant 0 : i32
          %dma_wait3A_315 = arith.constant 0 : i32
          %dma_wait3A_316 = tpu.memref_slice %arg7[%dma_wait3A_313, %dma_wait3A_314, %dma_wait3A_315] : memref<4x200x64xf32, #tpu.memory_space<vmem>> -> memref<1x200x64xf32, #tpu.memory_space<vmem>>
          %dma_wait3A_317 = tpu.memref_squeeze %dma_wait3A_316 : memref<1x200x64xf32, #tpu.memory_space<vmem>> -> memref<200x64xf32, #tpu.memory_space<vmem>>
          %dma_wait3A_318 = arith.constant 0 : i32
          %dma_wait3A_319 = arith.constant 0 : i32
          %dma_wait3A_320 = tpu.memref_slice %arg5[%add3A_312, %dma_wait3A_318, %dma_wait3A_319] : memref<4096x200x64xf32, #tpu.memory_space<hbm>> -> memref<1x200x64xf32, #tpu.memory_space<hbm>>
          %dma_wait3A_321 = tpu.memref_squeeze %dma_wait3A_320 : memref<1x200x64xf32, #tpu.memory_space<hbm>> -> memref<200x64xf32, #tpu.memory_space<hbm>>
          %dma_wait3A_322 = arith.constant 0 : i32
          %dma_wait3A_323 = arith.constant 0 : i32
          %dma_wait3A_324 = tpu.memref_slice %arg5[%add3A_312, %dma_wait3A_322, %dma_wait3A_323] : memref<4096x200x64xf32, #tpu.memory_space<hbm>> -> memref<1x200x64xf32, #tpu.memory_space<hbm>>
          %dma_wait3A_325 = tpu.memref_squeeze %dma_wait3A_324 : memref<1x200x64xf32, #tpu.memory_space<hbm>> -> memref<200x64xf32, #tpu.memory_space<hbm>>
          %dma_wait3A_326 = arith.constant 0 : i32
          %dma_wait3A_327 = arith.constant 0 : i32
          %dma_wait3A_328 = tpu.memref_slice %arg7[%dma_wait3A_313, %dma_wait3A_326, %dma_wait3A_327] : memref<4x200x64xf32, #tpu.memory_space<vmem>> -> memref<1x200x64xf32, #tpu.memory_space<vmem>>
          %dma_wait3A_329 = tpu.memref_squeeze %dma_wait3A_328 : memref<1x200x64xf32, #tpu.memory_space<vmem>> -> memref<200x64xf32, #tpu.memory_space<vmem>>
          tpu.wait_dma2 semaphore(%arg16 : memref<!tpu.dma_semaphore, #tpu.memory_space<semaphore_mem>>) src(%dma_wait3A_329 : memref<200x64xf32, #tpu.memory_space<vmem>>) dst(%dma_wait3A_325 : memref<200x64xf32, #tpu.memory_space<hbm>>)
        } else {
        }
        %add3A_296 = arith.constant 3 : i32
        %add3A_297 = arith.addi %add3A_118, %add3A_296 : i32
        %dma_start3A_298 = arith.constant 3 : i32
        %dma_start3A_299 = arith.constant 0 : i32
        %dma_start3A_300 = arith.constant 0 : i32
        %dma_start3A_301 = tpu.memref_slice %arg7[%dma_start3A_298, %dma_start3A_299, %dma_start3A_300] : memref<4x200x64xf32, #tpu.memory_space<vmem>> -> memref<1x200x64xf32, #tpu.memory_space<vmem>>
        %dma_start3A_302 = tpu.memref_squeeze %dma_start3A_301 : memref<1x200x64xf32, #tpu.memory_space<vmem>> -> memref<200x64xf32, #tpu.memory_space<vmem>>
        %dma_start3A_303 = arith.constant 0 : i32
        %dma_start3A_304 = tpu.memref_slice %arg6[%add3A_297, %dma_start3A_303] : memref<128x200xi32, #tpu.memory_space<vmem>> -> memref<1x200xi32, #tpu.memory_space<vmem>>
        %dma_start3A_305 = tpu.memref_squeeze %dma_start3A_304 : memref<1x200xi32, #tpu.memory_space<vmem>> -> memref<200xi32, #tpu.memory_space<vmem>>
        %dma_start3A_306 = arith.constant 0 : i32
        %dma_start3A_307 = arith.constant 0 : i32
        %dma_start3A_308 = tpu.memref_slice %arg3[%dma_start3A_306, %dma_start3A_307] : memref<1000000x64xf32, #tpu.memory_space<hbm>> -> memref<1000000x64xf32, #tpu.memory_space<hbm>>
        tpu.enqueue_indirect_dma source(%dma_start3A_308 : memref<1000000x64xf32, #tpu.memory_space<hbm>>) target(%dma_start3A_302 : memref<200x64xf32, #tpu.memory_space<vmem>>) offsets(%dma_start3A_305 : memref<200xi32, #tpu.memory_space<vmem>>) semaphore(%arg12 : memref<!tpu.dma_semaphore, #tpu.memory_space<semaphore_mem>>)
      } else {
      }
      %dma_wait3A_130 = arith.constant 0 : i32
      %dma_wait3A_131 = arith.constant 0 : i32
      %dma_wait3A_132 = arith.constant 0 : i32
      %dma_wait3A_133 = tpu.memref_slice %arg7[%dma_wait3A_130, %dma_wait3A_131, %dma_wait3A_132] : memref<4x200x64xf32, #tpu.memory_space<vmem>> -> memref<1x200x64xf32, #tpu.memory_space<vmem>>
      %dma_wait3A_134 = tpu.memref_squeeze %dma_wait3A_133 : memref<1x200x64xf32, #tpu.memory_space<vmem>> -> memref<200x64xf32, #tpu.memory_space<vmem>>
      %dma_wait3A_135 = arith.constant 0 : i32
      %dma_wait3A_136 = tpu.memref_slice %arg6[%add3A_118, %dma_wait3A_135] : memref<128x200xi32, #tpu.memory_space<vmem>> -> memref<1x200xi32, #tpu.memory_space<vmem>>
      %dma_wait3A_137 = tpu.memref_squeeze %dma_wait3A_136 : memref<1x200xi32, #tpu.memory_space<vmem>> -> memref<200xi32, #tpu.memory_space<vmem>>
      %dma_wait3A_138 = arith.constant 0 : i32
      %dma_wait3A_139 = arith.constant 0 : i32
      %dma_wait3A_140 = tpu.memref_slice %arg3[%dma_wait3A_138, %dma_wait3A_139] : memref<1000000x64xf32, #tpu.memory_space<hbm>> -> memref<1000000x64xf32, #tpu.memory_space<hbm>>
      tpu.wait_indirect_dma semaphore(%arg9 : memref<!tpu.dma_semaphore, #tpu.memory_space<semaphore_mem>>) src(%dma_wait3A_140 : memref<1000000x64xf32, #tpu.memory_space<hbm>>) dst(%dma_wait3A_134 : memref<200x64xf32, #tpu.memory_space<vmem>>)
      %add3A_141 = arith.constant 1 : i32
      %add3A_142 = arith.addi %add3A_118, %add3A_141 : i32
      %dma_wait3A_143 = arith.constant 1 : i32
      %dma_wait3A_144 = arith.constant 0 : i32
      %dma_wait3A_145 = arith.constant 0 : i32
      %dma_wait3A_146 = tpu.memref_slice %arg7[%dma_wait3A_143, %dma_wait3A_144, %dma_wait3A_145] : memref<4x200x64xf32, #tpu.memory_space<vmem>> -> memref<1x200x64xf32, #tpu.memory_space<vmem>>
      %dma_wait3A_147 = tpu.memref_squeeze %dma_wait3A_146 : memref<1x200x64xf32, #tpu.memory_space<vmem>> -> memref<200x64xf32, #tpu.memory_space<vmem>>
      %dma_wait3A_148 = arith.constant 0 : i32
      %dma_wait3A_149 = tpu.memref_slice %arg6[%add3A_142, %dma_wait3A_148] : memref<128x200xi32, #tpu.memory_space<vmem>> -> memref<1x200xi32, #tpu.memory_space<vmem>>
      %dma_wait3A_150 = tpu.memref_squeeze %dma_wait3A_149 : memref<1x200xi32, #tpu.memory_space<vmem>> -> memref<200xi32, #tpu.memory_space<vmem>>
      %dma_wait3A_151 = arith.constant 0 : i32
      %dma_wait3A_152 = arith.constant 0 : i32
      %dma_wait3A_153 = tpu.memref_slice %arg3[%dma_wait3A_151, %dma_wait3A_152] : memref<1000000x64xf32, #tpu.memory_space<hbm>> -> memref<1000000x64xf32, #tpu.memory_space<hbm>>
      tpu.wait_indirect_dma semaphore(%arg10 : memref<!tpu.dma_semaphore, #tpu.memory_space<semaphore_mem>>) src(%dma_wait3A_153 : memref<1000000x64xf32, #tpu.memory_space<hbm>>) dst(%dma_wait3A_147 : memref<200x64xf32, #tpu.memory_space<vmem>>)
      %scan3A_154 = arith.constant 0 : i32
      %scan3A_155 = arith.constant 0 : i32
      %scan3A_156 = arith.constant 200 : i32
      %scan3A_157 = arith.addi %scan3A_155, %scan3A_156 : i32
      %scan3A_158 = arith.constant 2 : i32
      scf.for %scan3A_292 = %scan3A_155 to %scan3A_157 step %scan3A_158  : i32 {
        %get3A = arith.index_cast %scan3A_292 : i32 to index
        %get3A_293 = arith.constant 0 : index
        %get3A_294 = tpu.vector_load %arg8[%get3A, %get3A_293] {strides = array<i32>} : memref<200x64xf32, #tpu.memory_space<vmem>>, vector<1x16xf32>,
        %get3A_295 = vector.shape_cast %get3A_294 : vector<1x16xf32> to vector<16xf32>
        %get3A_296 = arith.constant 0 : i32
        %get3A_297 = arith.index_cast %get3A_296 : i32 to index
        %get3A_298 = arith.index_cast %scan3A_292 : i32 to index
        %get3A_299 = arith.constant 0 : index
        %get3A_300 = tpu.vector_load %arg7[%get3A_297, %get3A_298, %get3A_299] {strides = array<i32>} : memref<4x200x64xf32, #tpu.memory_space<vmem>>, vector<1x1x16xf32>,
        %get3A_301 = vector.shape_cast %get3A_300 : vector<1x1x16xf32> to vector<16xf32>
        %add3A_302 = arith.addf %get3A_301, %get3A_295 : vector<16xf32>
        %swap3A = arith.constant 0 : i32
        %swap3A_303 = arith.index_cast %swap3A : i32 to index
        %swap3A_304 = arith.index_cast %scan3A_292 : i32 to index
        %swap3A_305 = arith.constant 0 : index
        %swap3A_306 = tpu.vector_load %arg7[%swap3A_303, %swap3A_304, %swap3A_305] {strides = array<i32>} : memref<4x200x64xf32, #tpu.memory_space<vmem>>, vector<1x1x16xf32>,
        %swap3A_307 = vector.shape_cast %swap3A_306 : vector<1x1x16xf32> to vector<16xf32>
        %swap3A_308 = vector.shape_cast %add3A_302 : vector<16xf32> to vector<1x1x16xf32>
        tpu.vector_store %arg7[%swap3A_303, %swap3A_304, %swap3A_305], %swap3A_308 {strides = array<i32>} : memref<4x200x64xf32, #tpu.memory_space<vmem>>, vector<1x1x16xf32>,
        %get3A_309 = arith.constant 1 : i32
        %get3A_310 = arith.index_cast %get3A_309 : i32 to index
        %get3A_311 = arith.index_cast %scan3A_292 : i32 to index
        %get3A_312 = arith.constant 0 : index
        %get3A_313 = tpu.vector_load %arg7[%get3A_310, %get3A_311, %get3A_312] {strides = array<i32>} : memref<4x200x64xf32, #tpu.memory_space<vmem>>, vector<1x1x16xf32>,
        %get3A_314 = vector.shape_cast %get3A_313 : vector<1x1x16xf32> to vector<16xf32>
        %add3A_315 = arith.addf %get3A_314, %get3A_295 : vector<16xf32>
        %swap3A_316 = arith.constant 1 : i32
        %swap3A_317 = arith.index_cast %swap3A_316 : i32 to index
        %swap3A_318 = arith.index_cast %scan3A_292 : i32 to index
        %swap3A_319 = arith.constant 0 : index
        %swap3A_320 = tpu.vector_load %arg7[%swap3A_317, %swap3A_318, %swap3A_319] {strides = array<i32>} : memref<4x200x64xf32, #tpu.memory_space<vmem>>, vector<1x1x16xf32>,
        %swap3A_321 = vector.shape_cast %swap3A_320 : vector<1x1x16xf32> to vector<16xf32>
        %swap3A_322 = vector.shape_cast %add3A_315 : vector<16xf32> to vector<1x1x16xf32>
        tpu.vector_store %arg7[%swap3A_317, %swap3A_318, %swap3A_319], %swap3A_322 {strides = array<i32>} : memref<4x200x64xf32, #tpu.memory_space<vmem>>, vector<1x1x16xf32>,
        %get3A_323 = arith.index_cast %scan3A_292 : i32 to index
        %get3A_324 = arith.constant 16 : index
        %get3A_325 = tpu.vector_load %arg8[%get3A_323, %get3A_324] {strides = array<i32>} : memref<200x64xf32, #tpu.memory_space<vmem>>, vector<1x16xf32>,
        %get3A_326 = vector.shape_cast %get3A_325 : vector<1x16xf32> to vector<16xf32>
        %get3A_327 = arith.constant 0 : i32
        %get3A_328 = arith.index_cast %get3A_327 : i32 to index
        %get3A_329 = arith.index_cast %scan3A_292 : i32 to index
        %get3A_330 = arith.constant 16 : index
        %get3A_331 = tpu.vector_load %arg7[%get3A_328, %get3A_329, %get3A_330] {strides = array<i32>} : memref<4x200x64xf32, #tpu.memory_space<vmem>>, vector<1x1x16xf32>,
        %get3A_332 = vector.shape_cast %get3A_331 : vector<1x1x16xf32> to vector<16xf32>
        %add3A_333 = arith.addf %get3A_332, %get3A_326 : vector<16xf32>
        %swap3A_334 = arith.constant 0 : i32
        %swap3A_335 = arith.index_cast %swap3A_334 : i32 to index
        %swap3A_336 = arith.index_cast %scan3A_292 : i32 to index
        %swap3A_337 = arith.constant 16 : index
        %swap3A_338 = tpu.vector_load %arg7[%swap3A_335, %swap3A_336, %swap3A_337] {strides = array<i32>} : memref<4x200x64xf32, #tpu.memory_space<vmem>>, vector<1x1x16xf32>,
        %swap3A_339 = vector.shape_cast %swap3A_338 : vector<1x1x16xf32> to vector<16xf32>
        %swap3A_340 = vector.shape_cast %add3A_333 : vector<16xf32> to vector<1x1x16xf32>
        tpu.vector_store %arg7[%swap3A_335, %swap3A_336, %swap3A_337], %swap3A_340 {strides = array<i32>} : memref<4x200x64xf32, #tpu.memory_space<vmem>>, vector<1x1x16xf32>,
        %get3A_341 = arith.constant 1 : i32
        %get3A_342 = arith.index_cast %get3A_341 : i32 to index
        %get3A_343 = arith.index_cast %scan3A_292 : i32 to index
        %get3A_344 = arith.constant 16 : index
        %get3A_345 = tpu.vector_load %arg7[%get3A_342, %get3A_343, %get3A_344] {strides = array<i32>} : memref<4x200x64xf32, #tpu.memory_space<vmem>>, vector<1x1x16xf32>,
        %get3A_346 = vector.shape_cast %get3A_345 : vector<1x1x16xf32> to vector<16xf32>
        %add3A_347 = arith.addf %get3A_346, %get3A_326 : vector<16xf32>
        %swap3A_348 = arith.constant 1 : i32
        %swap3A_349 = arith.index_cast %swap3A_348 : i32 to index
        %swap3A_350 = arith.index_cast %scan3A_292 : i32 to index
        %swap3A_351 = arith.constant 16 : index
        %swap3A_352 = tpu.vector_load %arg7[%swap3A_349, %swap3A_350, %swap3A_351] {strides = array<i32>} : memref<4x200x64xf32, #tpu.memory_space<vmem>>, vector<1x1x16xf32>,
        %swap3A_353 = vector.shape_cast %swap3A_352 : vector<1x1x16xf32> to vector<16xf32>
        %swap3A_354 = vector.shape_cast %add3A_347 : vector<16xf32> to vector<1x1x16xf32>
        tpu.vector_store %arg7[%swap3A_349, %swap3A_350, %swap3A_351], %swap3A_354 {strides = array<i32>} : memref<4x200x64xf32, #tpu.memory_space<vmem>>, vector<1x1x16xf32>,
        %get3A_355 = arith.index_cast %scan3A_292 : i32 to index
        %get3A_356 = arith.constant 32 : index
        %get3A_357 = tpu.vector_load %arg8[%get3A_355, %get3A_356] {strides = array<i32>} : memref<200x64xf32, #tpu.memory_space<vmem>>, vector<1x16xf32>,
        %get3A_358 = vector.shape_cast %get3A_357 : vector<1x16xf32> to vector<16xf32>
        %get3A_359 = arith.constant 0 : i32
        %get3A_360 = arith.index_cast %get3A_359 : i32 to index
        %get3A_361 = arith.index_cast %scan3A_292 : i32 to index
        %get3A_362 = arith.constant 32 : index
        %get3A_363 = tpu.vector_load %arg7[%get3A_360, %get3A_361, %get3A_362] {strides = array<i32>} : memref<4x200x64xf32, #tpu.memory_space<vmem>>, vector<1x1x16xf32>,
        %get3A_364 = vector.shape_cast %get3A_363 : vector<1x1x16xf32> to vector<16xf32>
        %add3A_365 = arith.addf %get3A_364, %get3A_358 : vector<16xf32>
        %swap3A_366 = arith.constant 0 : i32
        %swap3A_367 = arith.index_cast %swap3A_366 : i32 to index
        %swap3A_368 = arith.index_cast %scan3A_292 : i32 to index
        %swap3A_369 = arith.constant 32 : index
        %swap3A_370 = tpu.vector_load %arg7[%swap3A_367, %swap3A_368, %swap3A_369] {strides = array<i32>} : memref<4x200x64xf32, #tpu.memory_space<vmem>>, vector<1x1x16xf32>,
        %swap3A_371 = vector.shape_cast %swap3A_370 : vector<1x1x16xf32> to vector<16xf32>
        %swap3A_372 = vector.shape_cast %add3A_365 : vector<16xf32> to vector<1x1x16xf32>
        tpu.vector_store %arg7[%swap3A_367, %swap3A_368, %swap3A_369], %swap3A_372 {strides = array<i32>} : memref<4x200x64xf32, #tpu.memory_space<vmem>>, vector<1x1x16xf32>,
        %get3A_373 = arith.constant 1 : i32
        %get3A_374 = arith.index_cast %get3A_373 : i32 to index
        %get3A_375 = arith.index_cast %scan3A_292 : i32 to index
        %get3A_376 = arith.constant 32 : index
        %get3A_377 = tpu.vector_load %arg7[%get3A_374, %get3A_375, %get3A_376] {strides = array<i32>} : memref<4x200x64xf32, #tpu.memory_space<vmem>>, vector<1x1x16xf32>,
        %get3A_378 = vector.shape_cast %get3A_377 : vector<1x1x16xf32> to vector<16xf32>
        %add3A_379 = arith.addf %get3A_378, %get3A_358 : vector<16xf32>
        %swap3A_380 = arith.constant 1 : i32
        %swap3A_381 = arith.index_cast %swap3A_380 : i32 to index
        %swap3A_382 = arith.index_cast %scan3A_292 : i32 to index
        %swap3A_383 = arith.constant 32 : index
        %swap3A_384 = tpu.vector_load %arg7[%swap3A_381, %swap3A_382, %swap3A_383] {strides = array<i32>} : memref<4x200x64xf32, #tpu.memory_space<vmem>>, vector<1x1x16xf32>,
        %swap3A_385 = vector.shape_cast %swap3A_384 : vector<1x1x16xf32> to vector<16xf32>
        %swap3A_386 = vector.shape_cast %add3A_379 : vector<16xf32> to vector<1x1x16xf32>
        tpu.vector_store %arg7[%swap3A_381, %swap3A_382, %swap3A_383], %swap3A_386 {strides = array<i32>} : memref<4x200x64xf32, #tpu.memory_space<vmem>>, vector<1x1x16xf32>,
        %get3A_387 = arith.index_cast %scan3A_292 : i32 to index
        %get3A_388 = arith.constant 48 : index
        %get3A_389 = tpu.vector_load %arg8[%get3A_387, %get3A_388] {strides = array<i32>} : memref<200x64xf32, #tpu.memory_space<vmem>>, vector<1x16xf32>,
        %get3A_390 = vector.shape_cast %get3A_389 : vector<1x16xf32> to vector<16xf32>
        %get3A_391 = arith.constant 0 : i32
        %get3A_392 = arith.index_cast %get3A_391 : i32 to index
        %get3A_393 = arith.index_cast %scan3A_292 : i32 to index
        %get3A_394 = arith.constant 48 : index
        %get3A_395 = tpu.vector_load %arg7[%get3A_392, %get3A_393, %get3A_394] {strides = array<i32>} : memref<4x200x64xf32, #tpu.memory_space<vmem>>, vector<1x1x16xf32>,
        %get3A_396 = vector.shape_cast %get3A_395 : vector<1x1x16xf32> to vector<16xf32>
        %add3A_397 = arith.addf %get3A_396, %get3A_390 : vector<16xf32>
        %swap3A_398 = arith.constant 0 : i32
        %swap3A_399 = arith.index_cast %swap3A_398 : i32 to index
        %swap3A_400 = arith.index_cast %scan3A_292 : i32 to index
        %swap3A_401 = arith.constant 48 : index
        %swap3A_402 = tpu.vector_load %arg7[%swap3A_399, %swap3A_400, %swap3A_401] {strides = array<i32>} : memref<4x200x64xf32, #tpu.memory_space<vmem>>, vector<1x1x16xf32>,
        %swap3A_403 = vector.shape_cast %swap3A_402 : vector<1x1x16xf32> to vector<16xf32>
        %swap3A_404 = vector.shape_cast %add3A_397 : vector<16xf32> to vector<1x1x16xf32>
        tpu.vector_store %arg7[%swap3A_399, %swap3A_400, %swap3A_401], %swap3A_404 {strides = array<i32>} : memref<4x200x64xf32, #tpu.memory_space<vmem>>, vector<1x1x16xf32>,
        %get3A_405 = arith.constant 1 : i32
        %get3A_406 = arith.index_cast %get3A_405 : i32 to index
        %get3A_407 = arith.index_cast %scan3A_292 : i32 to index
        %get3A_408 = arith.constant 48 : index
        %get3A_409 = tpu.vector_load %arg7[%get3A_406, %get3A_407, %get3A_408] {strides = array<i32>} : memref<4x200x64xf32, #tpu.memory_space<vmem>>, vector<1x1x16xf32>,
        %get3A_410 = vector.shape_cast %get3A_409 : vector<1x1x16xf32> to vector<16xf32>
        %add3A_411 = arith.addf %get3A_410, %get3A_390 : vector<16xf32>
        %swap3A_412 = arith.constant 1 : i32
        %swap3A_413 = arith.index_cast %swap3A_412 : i32 to index
        %swap3A_414 = arith.index_cast %scan3A_292 : i32 to index
        %swap3A_415 = arith.constant 48 : index
        %swap3A_416 = tpu.vector_load %arg7[%swap3A_413, %swap3A_414, %swap3A_415] {strides = array<i32>} : memref<4x200x64xf32, #tpu.memory_space<vmem>>, vector<1x1x16xf32>,
        %swap3A_417 = vector.shape_cast %swap3A_416 : vector<1x1x16xf32> to vector<16xf32>
        %swap3A_418 = vector.shape_cast %add3A_411 : vector<16xf32> to vector<1x1x16xf32>
        tpu.vector_store %arg7[%swap3A_413, %swap3A_414, %swap3A_415], %swap3A_418 {strides = array<i32>} : memref<4x200x64xf32, #tpu.memory_space<vmem>>, vector<1x1x16xf32>,
        %scan3A_419 = arith.constant 1 : i32
        %scan3A_420 = arith.addi %scan3A_292, %scan3A_419 : i32
        %get3A_421 = arith.index_cast %scan3A_420 : i32 to index
        %get3A_422 = arith.constant 0 : index
        %get3A_423 = tpu.vector_load %arg8[%get3A_421, %get3A_422] {strides = array<i32>} : memref<200x64xf32, #tpu.memory_space<vmem>>, vector<1x16xf32>,
        %get3A_424 = vector.shape_cast %get3A_423 : vector<1x16xf32> to vector<16xf32>
        %get3A_425 = arith.constant 0 : i32
        %get3A_426 = arith.index_cast %get3A_425 : i32 to index
        %get3A_427 = arith.index_cast %scan3A_420 : i32 to index
        %get3A_428 = arith.constant 0 : index
        %get3A_429 = tpu.vector_load %arg7[%get3A_426, %get3A_427, %get3A_428] {strides = array<i32>} : memref<4x200x64xf32, #tpu.memory_space<vmem>>, vector<1x1x16xf32>,
        %get3A_430 = vector.shape_cast %get3A_429 : vector<1x1x16xf32> to vector<16xf32>
        %add3A_431 = arith.addf %get3A_430, %get3A_424 : vector<16xf32>
        %swap3A_432 = arith.constant 0 : i32
        %swap3A_433 = arith.index_cast %swap3A_432 : i32 to index
        %swap3A_434 = arith.index_cast %scan3A_420 : i32 to index
        %swap3A_435 = arith.constant 0 : index
        %swap3A_436 = tpu.vector_load %arg7[%swap3A_433, %swap3A_434, %swap3A_435] {strides = array<i32>} : memref<4x200x64xf32, #tpu.memory_space<vmem>>, vector<1x1x16xf32>,
        %swap3A_437 = vector.shape_cast %swap3A_436 : vector<1x1x16xf32> to vector<16xf32>
        %swap3A_438 = vector.shape_cast %add3A_431 : vector<16xf32> to vector<1x1x16xf32>
        tpu.vector_store %arg7[%swap3A_433, %swap3A_434, %swap3A_435], %swap3A_438 {strides = array<i32>} : memref<4x200x64xf32, #tpu.memory_space<vmem>>, vector<1x1x16xf32>,
        %get3A_439 = arith.constant 1 : i32
        %get3A_440 = arith.index_cast %get3A_439 : i32 to index
        %get3A_441 = arith.index_cast %scan3A_420 : i32 to index
        %get3A_442 = arith.constant 0 : index
        %get3A_443 = tpu.vector_load %arg7[%get3A_440, %get3A_441, %get3A_442] {strides = array<i32>} : memref<4x200x64xf32, #tpu.memory_space<vmem>>, vector<1x1x16xf32>,
        %get3A_444 = vector.shape_cast %get3A_443 : vector<1x1x16xf32> to vector<16xf32>
        %add3A_445 = arith.addf %get3A_444, %get3A_424 : vector<16xf32>
        %swap3A_446 = arith.constant 1 : i32
        %swap3A_447 = arith.index_cast %swap3A_446 : i32 to index
        %swap3A_448 = arith.index_cast %scan3A_420 : i32 to index
        %swap3A_449 = arith.constant 0 : index
        %swap3A_450 = tpu.vector_load %arg7[%swap3A_447, %swap3A_448, %swap3A_449] {strides = array<i32>} : memref<4x200x64xf32, #tpu.memory_space<vmem>>, vector<1x1x16xf32>,
        %swap3A_451 = vector.shape_cast %swap3A_450 : vector<1x1x16xf32> to vector<16xf32>
        %swap3A_452 = vector.shape_cast %add3A_445 : vector<16xf32> to vector<1x1x16xf32>
        tpu.vector_store %arg7[%swap3A_447, %swap3A_448, %swap3A_449], %swap3A_452 {strides = array<i32>} : memref<4x200x64xf32, #tpu.memory_space<vmem>>, vector<1x1x16xf32>,
        %get3A_453 = arith.index_cast %scan3A_420 : i32 to index
        %get3A_454 = arith.constant 16 : index
        %get3A_455 = tpu.vector_load %arg8[%get3A_453, %get3A_454] {strides = array<i32>} : memref<200x64xf32, #tpu.memory_space<vmem>>, vector<1x16xf32>,
        %get3A_456 = vector.shape_cast %get3A_455 : vector<1x16xf32> to vector<16xf32>
        %get3A_457 = arith.constant 0 : i32
        %get3A_458 = arith.index_cast %get3A_457 : i32 to index
        %get3A_459 = arith.index_cast %scan3A_420 : i32 to index
        %get3A_460 = arith.constant 16 : index
        %get3A_461 = tpu.vector_load %arg7[%get3A_458, %get3A_459, %get3A_460] {strides = array<i32>} : memref<4x200x64xf32, #tpu.memory_space<vmem>>, vector<1x1x16xf32>,
        %get3A_462 = vector.shape_cast %get3A_461 : vector<1x1x16xf32> to vector<16xf32>
        %add3A_463 = arith.addf %get3A_462, %get3A_456 : vector<16xf32>
        %swap3A_464 = arith.constant 0 : i32
        %swap3A_465 = arith.index_cast %swap3A_464 : i32 to index
        %swap3A_466 = arith.index_cast %scan3A_420 : i32 to index
        %swap3A_467 = arith.constant 16 : index
        %swap3A_468 = tpu.vector_load %arg7[%swap3A_465, %swap3A_466, %swap3A_467] {strides = array<i32>} : memref<4x200x64xf32, #tpu.memory_space<vmem>>, vector<1x1x16xf32>,
        %swap3A_469 = vector.shape_cast %swap3A_468 : vector<1x1x16xf32> to vector<16xf32>
        %swap3A_470 = vector.shape_cast %add3A_463 : vector<16xf32> to vector<1x1x16xf32>
        tpu.vector_store %arg7[%swap3A_465, %swap3A_466, %swap3A_467], %swap3A_470 {strides = array<i32>} : memref<4x200x64xf32, #tpu.memory_space<vmem>>, vector<1x1x16xf32>,
        %get3A_471 = arith.constant 1 : i32
        %get3A_472 = arith.index_cast %get3A_471 : i32 to index
        %get3A_473 = arith.index_cast %scan3A_420 : i32 to index
        %get3A_474 = arith.constant 16 : index
        %get3A_475 = tpu.vector_load %arg7[%get3A_472, %get3A_473, %get3A_474] {strides = array<i32>} : memref<4x200x64xf32, #tpu.memory_space<vmem>>, vector<1x1x16xf32>,
        %get3A_476 = vector.shape_cast %get3A_475 : vector<1x1x16xf32> to vector<16xf32>
        %add3A_477 = arith.addf %get3A_476, %get3A_456 : vector<16xf32>
        %swap3A_478 = arith.constant 1 : i32
        %swap3A_479 = arith.index_cast %swap3A_478 : i32 to index
        %swap3A_480 = arith.index_cast %scan3A_420 : i32 to index
        %swap3A_481 = arith.constant 16 : index
        %swap3A_482 = tpu.vector_load %arg7[%swap3A_479, %swap3A_480, %swap3A_481] {strides = array<i32>} : memref<4x200x64xf32, #tpu.memory_space<vmem>>, vector<1x1x16xf32>,
        %swap3A_483 = vector.shape_cast %swap3A_482 : vector<1x1x16xf32> to vector<16xf32>
        %swap3A_484 = vector.shape_cast %add3A_477 : vector<16xf32> to vector<1x1x16xf32>
        tpu.vector_store %arg7[%swap3A_479, %swap3A_480, %swap3A_481], %swap3A_484 {strides = array<i32>} : memref<4x200x64xf32, #tpu.memory_space<vmem>>, vector<1x1x16xf32>,
        %get3A_485 = arith.index_cast %scan3A_420 : i32 to index
        %get3A_486 = arith.constant 32 : index
        %get3A_487 = tpu.vector_load %arg8[%get3A_485, %get3A_486] {strides = array<i32>} : memref<200x64xf32, #tpu.memory_space<vmem>>, vector<1x16xf32>,
        %get3A_488 = vector.shape_cast %get3A_487 : vector<1x16xf32> to vector<16xf32>
        %get3A_489 = arith.constant 0 : i32
        %get3A_490 = arith.index_cast %get3A_489 : i32 to index
        %get3A_491 = arith.index_cast %scan3A_420 : i32 to index
        %get3A_492 = arith.constant 32 : index
        %get3A_493 = tpu.vector_load %arg7[%get3A_490, %get3A_491, %get3A_492] {strides = array<i32>} : memref<4x200x64xf32, #tpu.memory_space<vmem>>, vector<1x1x16xf32>,
        %get3A_494 = vector.shape_cast %get3A_493 : vector<1x1x16xf32> to vector<16xf32>
        %add3A_495 = arith.addf %get3A_494, %get3A_488 : vector<16xf32>
        %swap3A_496 = arith.constant 0 : i32
        %swap3A_497 = arith.index_cast %swap3A_496 : i32 to index
        %swap3A_498 = arith.index_cast %scan3A_420 : i32 to index
        %swap3A_499 = arith.constant 32 : index
        %swap3A_500 = tpu.vector_load %arg7[%swap3A_497, %swap3A_498, %swap3A_499] {strides = array<i32>} : memref<4x200x64xf32, #tpu.memory_space<vmem>>, vector<1x1x16xf32>,
        %swap3A_501 = vector.shape_cast %swap3A_500 : vector<1x1x16xf32> to vector<16xf32>
        %swap3A_502 = vector.shape_cast %add3A_495 : vector<16xf32> to vector<1x1x16xf32>
        tpu.vector_store %arg7[%swap3A_497, %swap3A_498, %swap3A_499], %swap3A_502 {strides = array<i32>} : memref<4x200x64xf32, #tpu.memory_space<vmem>>, vector<1x1x16xf32>,
        %get3A_503 = arith.constant 1 : i32
        %get3A_504 = arith.index_cast %get3A_503 : i32 to index
        %get3A_505 = arith.index_cast %scan3A_420 : i32 to index
        %get3A_506 = arith.constant 32 : index
        %get3A_507 = tpu.vector_load %arg7[%get3A_504, %get3A_505, %get3A_506] {strides = array<i32>} : memref<4x200x64xf32, #tpu.memory_space<vmem>>, vector<1x1x16xf32>,
        %get3A_508 = vector.shape_cast %get3A_507 : vector<1x1x16xf32> to vector<16xf32>
        %add3A_509 = arith.addf %get3A_508, %get3A_488 : vector<16xf32>
        %swap3A_510 = arith.constant 1 : i32
        %swap3A_511 = arith.index_cast %swap3A_510 : i32 to index
        %swap3A_512 = arith.index_cast %scan3A_420 : i32 to index
        %swap3A_513 = arith.constant 32 : index
        %swap3A_514 = tpu.vector_load %arg7[%swap3A_511, %swap3A_512, %swap3A_513] {strides = array<i32>} : memref<4x200x64xf32, #tpu.memory_space<vmem>>, vector<1x1x16xf32>,
        %swap3A_515 = vector.shape_cast %swap3A_514 : vector<1x1x16xf32> to vector<16xf32>
        %swap3A_516 = vector.shape_cast %add3A_509 : vector<16xf32> to vector<1x1x16xf32>
        tpu.vector_store %arg7[%swap3A_511, %swap3A_512, %swap3A_513], %swap3A_516 {strides = array<i32>} : memref<4x200x64xf32, #tpu.memory_space<vmem>>, vector<1x1x16xf32>,
        %get3A_517 = arith.index_cast %scan3A_420 : i32 to index
        %get3A_518 = arith.constant 48 : index
        %get3A_519 = tpu.vector_load %arg8[%get3A_517, %get3A_518] {strides = array<i32>} : memref<200x64xf32, #tpu.memory_space<vmem>>, vector<1x16xf32>,
        %get3A_520 = vector.shape_cast %get3A_519 : vector<1x16xf32> to vector<16xf32>
        %get3A_521 = arith.constant 0 : i32
        %get3A_522 = arith.index_cast %get3A_521 : i32 to index
        %get3A_523 = arith.index_cast %scan3A_420 : i32 to index
        %get3A_524 = arith.constant 48 : index
        %get3A_525 = tpu.vector_load %arg7[%get3A_522, %get3A_523, %get3A_524] {strides = array<i32>} : memref<4x200x64xf32, #tpu.memory_space<vmem>>, vector<1x1x16xf32>,
        %get3A_526 = vector.shape_cast %get3A_525 : vector<1x1x16xf32> to vector<16xf32>
        %add3A_527 = arith.addf %get3A_526, %get3A_520 : vector<16xf32>
        %swap3A_528 = arith.constant 0 : i32
        %swap3A_529 = arith.index_cast %swap3A_528 : i32 to index
        %swap3A_530 = arith.index_cast %scan3A_420 : i32 to index
        %swap3A_531 = arith.constant 48 : index
        %swap3A_532 = tpu.vector_load %arg7[%swap3A_529, %swap3A_530, %swap3A_531] {strides = array<i32>} : memref<4x200x64xf32, #tpu.memory_space<vmem>>, vector<1x1x16xf32>,
        %swap3A_533 = vector.shape_cast %swap3A_532 : vector<1x1x16xf32> to vector<16xf32>
        %swap3A_534 = vector.shape_cast %add3A_527 : vector<16xf32> to vector<1x1x16xf32>
        tpu.vector_store %arg7[%swap3A_529, %swap3A_530, %swap3A_531], %swap3A_534 {strides = array<i32>} : memref<4x200x64xf32, #tpu.memory_space<vmem>>, vector<1x1x16xf32>,
        %get3A_535 = arith.constant 1 : i32
        %get3A_536 = arith.index_cast %get3A_535 : i32 to index
        %get3A_537 = arith.index_cast %scan3A_420 : i32 to index
        %get3A_538 = arith.constant 48 : index
        %get3A_539 = tpu.vector_load %arg7[%get3A_536, %get3A_537, %get3A_538] {strides = array<i32>} : memref<4x200x64xf32, #tpu.memory_space<vmem>>, vector<1x1x16xf32>,
        %get3A_540 = vector.shape_cast %get3A_539 : vector<1x1x16xf32> to vector<16xf32>
        %add3A_541 = arith.addf %get3A_540, %get3A_520 : vector<16xf32>
        %swap3A_542 = arith.constant 1 : i32
        %swap3A_543 = arith.index_cast %swap3A_542 : i32 to index
        %swap3A_544 = arith.index_cast %scan3A_420 : i32 to index
        %swap3A_545 = arith.constant 48 : index
        %swap3A_546 = tpu.vector_load %arg7[%swap3A_543, %swap3A_544, %swap3A_545] {strides = array<i32>} : memref<4x200x64xf32, #tpu.memory_space<vmem>>, vector<1x1x16xf32>,
        %swap3A_547 = vector.shape_cast %swap3A_546 : vector<1x1x16xf32> to vector<16xf32>
        %swap3A_548 = vector.shape_cast %add3A_541 : vector<16xf32> to vector<1x1x16xf32>
        tpu.vector_store %arg7[%swap3A_543, %swap3A_544, %swap3A_545], %swap3A_548 {strides = array<i32>} : memref<4x200x64xf32, #tpu.memory_space<vmem>>, vector<1x1x16xf32>,
      }
      %scan3A_159 = arith.constant 200 : i32
      %mul3A_160 = arith.constant 128 : i32
      %mul3A_161 = arith.muli %add3A, %mul3A_160 : i32
      %add3A_162 = arith.addi %mul3A_161, %add3A_118 : i32
      %dma_start3A_163 = arith.constant 0 : i32
      %dma_start3A_164 = arith.constant 0 : i32
      %dma_start3A_165 = arith.constant 0 : i32
      %dma_start3A_166 = tpu.memref_slice %arg7[%dma_start3A_163, %dma_start3A_164, %dma_start3A_165] : memref<4x200x64xf32, #tpu.memory_space<vmem>> -> memref<1x200x64xf32, #tpu.memory_space<vmem>>
      %dma_start3A_167 = tpu.memref_squeeze %dma_start3A_166 : memref<1x200x64xf32, #tpu.memory_space<vmem>> -> memref<200x64xf32, #tpu.memory_space<vmem>>
      %dma_start3A_168 = arith.constant 0 : i32
      %dma_start3A_169 = arith.constant 0 : i32
      %dma_start3A_170 = tpu.memref_slice %arg5[%add3A_162, %dma_start3A_168, %dma_start3A_169] : memref<4096x200x64xf32, #tpu.memory_space<hbm>> -> memref<1x200x64xf32, #tpu.memory_space<hbm>>
      %dma_start3A_171 = tpu.memref_squeeze %dma_start3A_170 : memref<1x200x64xf32, #tpu.memory_space<hbm>> -> memref<200x64xf32, #tpu.memory_space<hbm>>
      %dma_start3A_172 = arith.constant 0 : i32
      %dma_start3A_173 = arith.constant 0 : i32
      %dma_start3A_174 = tpu.memref_slice %arg5[%add3A_162, %dma_start3A_172, %dma_start3A_173] : memref<4096x200x64xf32, #tpu.memory_space<hbm>> -> memref<1x200x64xf32, #tpu.memory_space<hbm>>
      %dma_start3A_175 = tpu.memref_squeeze %dma_start3A_174 : memref<1x200x64xf32, #tpu.memory_space<hbm>> -> memref<200x64xf32, #tpu.memory_space<hbm>>
      %dma_start3A_176 = arith.constant 0 : i32
      %dma_start3A_177 = arith.constant 0 : i32
      %dma_start3A_178 = tpu.memref_slice %arg7[%dma_start3A_163, %dma_start3A_176, %dma_start3A_177] : memref<4x200x64xf32, #tpu.memory_space<vmem>> -> memref<1x200x64xf32, #tpu.memory_space<vmem>>
      %dma_start3A_179 = tpu.memref_squeeze %dma_start3A_178 : memref<1x200x64xf32, #tpu.memory_space<vmem>> -> memref<200x64xf32, #tpu.memory_space<vmem>>
      tpu.enqueue_dma source(%dma_start3A_179 : memref<200x64xf32, #tpu.memory_space<vmem>>) target(%dma_start3A_175 : memref<200x64xf32, #tpu.memory_space<hbm>>) target_semaphore(%arg13 : memref<!tpu.dma_semaphore, #tpu.memory_space<semaphore_mem>>)
      %add3A_180 = arith.constant 1 : i32
      %add3A_181 = arith.addi %add3A_118, %add3A_180 : i32
      %mul3A_182 = arith.constant 128 : i32
      %mul3A_183 = arith.muli %add3A, %mul3A_182 : i32
      %add3A_184 = arith.addi %mul3A_183, %add3A_181 : i32
      %dma_start3A_185 = arith.constant 1 : i32
      %dma_start3A_186 = arith.constant 0 : i32
      %dma_start3A_187 = arith.constant 0 : i32
      %dma_start3A_188 = tpu.memref_slice %arg7[%dma_start3A_185, %dma_start3A_186, %dma_start3A_187] : memref<4x200x64xf32, #tpu.memory_space<vmem>> -> memref<1x200x64xf32, #tpu.memory_space<vmem>>
      %dma_start3A_189 = tpu.memref_squeeze %dma_start3A_188 : memref<1x200x64xf32, #tpu.memory_space<vmem>> -> memref<200x64xf32, #tpu.memory_space<vmem>>
      %dma_start3A_190 = arith.constant 0 : i32
      %dma_start3A_191 = arith.constant 0 : i32
      %dma_start3A_192 = tpu.memref_slice %arg5[%add3A_184, %dma_start3A_190, %dma_start3A_191] : memref<4096x200x64xf32, #tpu.memory_space<hbm>> -> memref<1x200x64xf32, #tpu.memory_space<hbm>>
      %dma_start3A_193 = tpu.memref_squeeze %dma_start3A_192 : memref<1x200x64xf32, #tpu.memory_space<hbm>> -> memref<200x64xf32, #tpu.memory_space<hbm>>
      %dma_start3A_194 = arith.constant 0 : i32
      %dma_start3A_195 = arith.constant 0 : i32
      %dma_start3A_196 = tpu.memref_slice %arg5[%add3A_184, %dma_start3A_194, %dma_start3A_195] : memref<4096x200x64xf32, #tpu.memory_space<hbm>> -> memref<1x200x64xf32, #tpu.memory_space<hbm>>
      %dma_start3A_197 = tpu.memref_squeeze %dma_start3A_196 : memref<1x200x64xf32, #tpu.memory_space<hbm>> -> memref<200x64xf32, #tpu.memory_space<hbm>>
      %dma_start3A_198 = arith.constant 0 : i32
      %dma_start3A_199 = arith.constant 0 : i32
      %dma_start3A_200 = tpu.memref_slice %arg7[%dma_start3A_185, %dma_start3A_198, %dma_start3A_199] : memref<4x200x64xf32, #tpu.memory_space<vmem>> -> memref<1x200x64xf32, #tpu.memory_space<vmem>>
      %dma_start3A_201 = tpu.memref_squeeze %dma_start3A_200 : memref<1x200x64xf32, #tpu.memory_space<vmem>> -> memref<200x64xf32, #tpu.memory_space<vmem>>
      tpu.enqueue_dma source(%dma_start3A_201 : memref<200x64xf32, #tpu.memory_space<vmem>>) target(%dma_start3A_197 : memref<200x64xf32, #tpu.memory_space<hbm>>) target_semaphore(%arg14 : memref<!tpu.dma_semaphore, #tpu.memory_space<semaphore_mem>>)
      %mul3A_202 = arith.constant 4 : i32
      %mul3A_203 = arith.muli %scan3A_114, %mul3A_202 : i32
      %add3A_204 = arith.constant 2 : i32
      %add3A_205 = arith.addi %mul3A_203, %add3A_204 : i32
      %add3A_206 = arith.constant 2 : i32
      %add3A_207 = arith.addi %add3A_205, %add3A_206 : i32
      %lt3A_208 = arith.constant 128 : i32
      %lt3A_209 = arith.cmpi slt, %add3A_207, %lt3A_208 : i32
      %convert_element_type3A_210 = arith.extui %lt3A_209 : i1 to i32
      %cond3A_211 = arith.constant 0 : i32
      %cond3A_212 = arith.cmpi ne, %convert_element_type3A_210, %cond3A_211 : i32
      scf.if %cond3A_212 {
        %ge3A = arith.constant 2 : i32
        %ge3A_292 = arith.cmpi sge, %add3A_205, %ge3A : i32
        %convert_element_type3A_293 = arith.extui %ge3A_292 : i1 to i32
        %cond3A_294 = arith.constant 0 : i32
        %cond3A_295 = arith.cmpi ne, %convert_element_type3A_293, %cond3A_294 : i32
        scf.if %cond3A_295 {
          %sub3A = arith.constant 2 : i32
          %sub3A_309 = arith.subi %add3A_205, %sub3A : i32
          %mul3A_310 = arith.constant 128 : i32
          %mul3A_311 = arith.muli %add3A, %mul3A_310 : i32
          %add3A_312 = arith.addi %mul3A_311, %sub3A_309 : i32
          %dma_wait3A_313 = arith.constant 0 : i32
          %dma_wait3A_314 = arith.constant 0 : i32
          %dma_wait3A_315 = arith.constant 0 : i32
          %dma_wait3A_316 = tpu.memref_slice %arg7[%dma_wait3A_313, %dma_wait3A_314, %dma_wait3A_315] : memref<4x200x64xf32, #tpu.memory_space<vmem>> -> memref<1x200x64xf32, #tpu.memory_space<vmem>>
          %dma_wait3A_317 = tpu.memref_squeeze %dma_wait3A_316 : memref<1x200x64xf32, #tpu.memory_space<vmem>> -> memref<200x64xf32, #tpu.memory_space<vmem>>
          %dma_wait3A_318 = arith.constant 0 : i32
          %dma_wait3A_319 = arith.constant 0 : i32
          %dma_wait3A_320 = tpu.memref_slice %arg5[%add3A_312, %dma_wait3A_318, %dma_wait3A_319] : memref<4096x200x64xf32, #tpu.memory_space<hbm>> -> memref<1x200x64xf32, #tpu.memory_space<hbm>>
          %dma_wait3A_321 = tpu.memref_squeeze %dma_wait3A_320 : memref<1x200x64xf32, #tpu.memory_space<hbm>> -> memref<200x64xf32, #tpu.memory_space<hbm>>
          %dma_wait3A_322 = arith.constant 0 : i32
          %dma_wait3A_323 = arith.constant 0 : i32
          %dma_wait3A_324 = tpu.memref_slice %arg5[%add3A_312, %dma_wait3A_322, %dma_wait3A_323] : memref<4096x200x64xf32, #tpu.memory_space<hbm>> -> memref<1x200x64xf32, #tpu.memory_space<hbm>>
          %dma_wait3A_325 = tpu.memref_squeeze %dma_wait3A_324 : memref<1x200x64xf32, #tpu.memory_space<hbm>> -> memref<200x64xf32, #tpu.memory_space<hbm>>
          %dma_wait3A_326 = arith.constant 0 : i32
          %dma_wait3A_327 = arith.constant 0 : i32
          %dma_wait3A_328 = tpu.memref_slice %arg7[%dma_wait3A_313, %dma_wait3A_326, %dma_wait3A_327] : memref<4x200x64xf32, #tpu.memory_space<vmem>> -> memref<1x200x64xf32, #tpu.memory_space<vmem>>
          %dma_wait3A_329 = tpu.memref_squeeze %dma_wait3A_328 : memref<1x200x64xf32, #tpu.memory_space<vmem>> -> memref<200x64xf32, #tpu.memory_space<vmem>>
          tpu.wait_dma2 semaphore(%arg13 : memref<!tpu.dma_semaphore, #tpu.memory_space<semaphore_mem>>) src(%dma_wait3A_329 : memref<200x64xf32, #tpu.memory_space<vmem>>) dst(%dma_wait3A_325 : memref<200x64xf32, #tpu.memory_space<hbm>>)
        } else {
        }
        %add3A_296 = arith.constant 2 : i32
        %add3A_297 = arith.addi %add3A_205, %add3A_296 : i32
        %dma_start3A_298 = arith.constant 0 : i32
        %dma_start3A_299 = arith.constant 0 : i32
        %dma_start3A_300 = arith.constant 0 : i32
        %dma_start3A_301 = tpu.memref_slice %arg7[%dma_start3A_298, %dma_start3A_299, %dma_start3A_300] : memref<4x200x64xf32, #tpu.memory_space<vmem>> -> memref<1x200x64xf32, #tpu.memory_space<vmem>>
        %dma_start3A_302 = tpu.memref_squeeze %dma_start3A_301 : memref<1x200x64xf32, #tpu.memory_space<vmem>> -> memref<200x64xf32, #tpu.memory_space<vmem>>
        %dma_start3A_303 = arith.constant 0 : i32
        %dma_start3A_304 = tpu.memref_slice %arg6[%add3A_297, %dma_start3A_303] : memref<128x200xi32, #tpu.memory_space<vmem>> -> memref<1x200xi32, #tpu.memory_space<vmem>>
        %dma_start3A_305 = tpu.memref_squeeze %dma_start3A_304 : memref<1x200xi32, #tpu.memory_space<vmem>> -> memref<200xi32, #tpu.memory_space<vmem>>
        %dma_start3A_306 = arith.constant 0 : i32
        %dma_start3A_307 = arith.constant 0 : i32
        %dma_start3A_308 = tpu.memref_slice %arg3[%dma_start3A_306, %dma_start3A_307] : memref<1000000x64xf32, #tpu.memory_space<hbm>> -> memref<1000000x64xf32, #tpu.memory_space<hbm>>
        tpu.enqueue_indirect_dma source(%dma_start3A_308 : memref<1000000x64xf32, #tpu.memory_space<hbm>>) target(%dma_start3A_302 : memref<200x64xf32, #tpu.memory_space<vmem>>) offsets(%dma_start3A_305 : memref<200xi32, #tpu.memory_space<vmem>>) semaphore(%arg9 : memref<!tpu.dma_semaphore, #tpu.memory_space<semaphore_mem>>)
      } else {
      }
      %add3A_213 = arith.constant 3 : i32
      %add3A_214 = arith.addi %add3A_205, %add3A_213 : i32
      %lt3A_215 = arith.constant 128 : i32
      %lt3A_216 = arith.cmpi slt, %add3A_214, %lt3A_215 : i32
      %convert_element_type3A_217 = arith.extui %lt3A_216 : i1 to i32
      %cond3A_218 = arith.constant 0 : i32
      %cond3A_219 = arith.cmpi ne, %convert_element_type3A_217, %cond3A_218 : i32
      scf.if %cond3A_219 {
        %ge3A = arith.constant 1 : i32
        %ge3A_292 = arith.cmpi sge, %add3A_205, %ge3A : i32
        %convert_element_type3A_293 = arith.extui %ge3A_292 : i1 to i32
        %cond3A_294 = arith.constant 0 : i32
        %cond3A_295 = arith.cmpi ne, %convert_element_type3A_293, %cond3A_294 : i32
        scf.if %cond3A_295 {
          %sub3A = arith.constant 1 : i32
          %sub3A_309 = arith.subi %add3A_205, %sub3A : i32
          %mul3A_310 = arith.constant 128 : i32
          %mul3A_311 = arith.muli %add3A, %mul3A_310 : i32
          %add3A_312 = arith.addi %mul3A_311, %sub3A_309 : i32
          %dma_wait3A_313 = arith.constant 1 : i32
          %dma_wait3A_314 = arith.constant 0 : i32
          %dma_wait3A_315 = arith.constant 0 : i32
          %dma_wait3A_316 = tpu.memref_slice %arg7[%dma_wait3A_313, %dma_wait3A_314, %dma_wait3A_315] : memref<4x200x64xf32, #tpu.memory_space<vmem>> -> memref<1x200x64xf32, #tpu.memory_space<vmem>>
          %dma_wait3A_317 = tpu.memref_squeeze %dma_wait3A_316 : memref<1x200x64xf32, #tpu.memory_space<vmem>> -> memref<200x64xf32, #tpu.memory_space<vmem>>
          %dma_wait3A_318 = arith.constant 0 : i32
          %dma_wait3A_319 = arith.constant 0 : i32
          %dma_wait3A_320 = tpu.memref_slice %arg5[%add3A_312, %dma_wait3A_318, %dma_wait3A_319] : memref<4096x200x64xf32, #tpu.memory_space<hbm>> -> memref<1x200x64xf32, #tpu.memory_space<hbm>>
          %dma_wait3A_321 = tpu.memref_squeeze %dma_wait3A_320 : memref<1x200x64xf32, #tpu.memory_space<hbm>> -> memref<200x64xf32, #tpu.memory_space<hbm>>
          %dma_wait3A_322 = arith.constant 0 : i32
          %dma_wait3A_323 = arith.constant 0 : i32
          %dma_wait3A_324 = tpu.memref_slice %arg5[%add3A_312, %dma_wait3A_322, %dma_wait3A_323] : memref<4096x200x64xf32, #tpu.memory_space<hbm>> -> memref<1x200x64xf32, #tpu.memory_space<hbm>>
          %dma_wait3A_325 = tpu.memref_squeeze %dma_wait3A_324 : memref<1x200x64xf32, #tpu.memory_space<hbm>> -> memref<200x64xf32, #tpu.memory_space<hbm>>
          %dma_wait3A_326 = arith.constant 0 : i32
          %dma_wait3A_327 = arith.constant 0 : i32
          %dma_wait3A_328 = tpu.memref_slice %arg7[%dma_wait3A_313, %dma_wait3A_326, %dma_wait3A_327] : memref<4x200x64xf32, #tpu.memory_space<vmem>> -> memref<1x200x64xf32, #tpu.memory_space<vmem>>
          %dma_wait3A_329 = tpu.memref_squeeze %dma_wait3A_328 : memref<1x200x64xf32, #tpu.memory_space<vmem>> -> memref<200x64xf32, #tpu.memory_space<vmem>>
          tpu.wait_dma2 semaphore(%arg14 : memref<!tpu.dma_semaphore, #tpu.memory_space<semaphore_mem>>) src(%dma_wait3A_329 : memref<200x64xf32, #tpu.memory_space<vmem>>) dst(%dma_wait3A_325 : memref<200x64xf32, #tpu.memory_space<hbm>>)
        } else {
        }
        %add3A_296 = arith.constant 3 : i32
        %add3A_297 = arith.addi %add3A_205, %add3A_296 : i32
        %dma_start3A_298 = arith.constant 1 : i32
        %dma_start3A_299 = arith.constant 0 : i32
        %dma_start3A_300 = arith.constant 0 : i32
        %dma_start3A_301 = tpu.memref_slice %arg7[%dma_start3A_298, %dma_start3A_299, %dma_start3A_300] : memref<4x200x64xf32, #tpu.memory_space<vmem>> -> memref<1x200x64xf32, #tpu.memory_space<vmem>>
        %dma_start3A_302 = tpu.memref_squeeze %dma_start3A_301 : memref<1x200x64xf32, #tpu.memory_space<vmem>> -> memref<200x64xf32, #tpu.memory_space<vmem>>
        %dma_start3A_303 = arith.constant 0 : i32
        %dma_start3A_304 = tpu.memref_slice %arg6[%add3A_297, %dma_start3A_303] : memref<128x200xi32, #tpu.memory_space<vmem>> -> memref<1x200xi32, #tpu.memory_space<vmem>>
        %dma_start3A_305 = tpu.memref_squeeze %dma_start3A_304 : memref<1x200xi32, #tpu.memory_space<vmem>> -> memref<200xi32, #tpu.memory_space<vmem>>
        %dma_start3A_306 = arith.constant 0 : i32
        %dma_start3A_307 = arith.constant 0 : i32
        %dma_start3A_308 = tpu.memref_slice %arg3[%dma_start3A_306, %dma_start3A_307] : memref<1000000x64xf32, #tpu.memory_space<hbm>> -> memref<1000000x64xf32, #tpu.memory_space<hbm>>
        tpu.enqueue_indirect_dma source(%dma_start3A_308 : memref<1000000x64xf32, #tpu.memory_space<hbm>>) target(%dma_start3A_302 : memref<200x64xf32, #tpu.memory_space<vmem>>) offsets(%dma_start3A_305 : memref<200xi32, #tpu.memory_space<vmem>>) semaphore(%arg10 : memref<!tpu.dma_semaphore, #tpu.memory_space<semaphore_mem>>)
      } else {
      }
      %dma_wait3A_220 = arith.constant 2 : i32
      %dma_wait3A_221 = arith.constant 0 : i32
      %dma_wait3A_222 = arith.constant 0 : i32
      %dma_wait3A_223 = tpu.memref_slice %arg7[%dma_wait3A_220, %dma_wait3A_221, %dma_wait3A_222] : memref<4x200x64xf32, #tpu.memory_space<vmem>> -> memref<1x200x64xf32, #tpu.memory_space<vmem>>
      %dma_wait3A_224 = tpu.memref_squeeze %dma_wait3A_223 : memref<1x200x64xf32, #tpu.memory_space<vmem>> -> memref<200x64xf32, #tpu.memory_space<vmem>>
      %dma_wait3A_225 = arith.constant 0 : i32
      %dma_wait3A_226 = tpu.memref_slice %arg6[%add3A_205, %dma_wait3A_225] : memref<128x200xi32, #tpu.memory_space<vmem>> -> memref<1x200xi32, #tpu.memory_space<vmem>>
      %dma_wait3A_227 = tpu.memref_squeeze %dma_wait3A_226 : memref<1x200xi32, #tpu.memory_space<vmem>> -> memref<200xi32, #tpu.memory_space<vmem>>
      %dma_wait3A_228 = arith.constant 0 : i32
      %dma_wait3A_229 = arith.constant 0 : i32
      %dma_wait3A_230 = tpu.memref_slice %arg3[%dma_wait3A_228, %dma_wait3A_229] : memref<1000000x64xf32, #tpu.memory_space<hbm>> -> memref<1000000x64xf32, #tpu.memory_space<hbm>>
      tpu.wait_indirect_dma semaphore(%arg11 : memref<!tpu.dma_semaphore, #tpu.memory_space<semaphore_mem>>) src(%dma_wait3A_230 : memref<1000000x64xf32, #tpu.memory_space<hbm>>) dst(%dma_wait3A_224 : memref<200x64xf32, #tpu.memory_space<vmem>>)
      %add3A_231 = arith.constant 1 : i32
      %add3A_232 = arith.addi %add3A_205, %add3A_231 : i32
      %dma_wait3A_233 = arith.constant 3 : i32
      %dma_wait3A_234 = arith.constant 0 : i32
      %dma_wait3A_235 = arith.constant 0 : i32
      %dma_wait3A_236 = tpu.memref_slice %arg7[%dma_wait3A_233, %dma_wait3A_234, %dma_wait3A_235] : memref<4x200x64xf32, #tpu.memory_space<vmem>> -> memref<1x200x64xf32, #tpu.memory_space<vmem>>
      %dma_wait3A_237 = tpu.memref_squeeze %dma_wait3A_236 : memref<1x200x64xf32, #tpu.memory_space<vmem>> -> memref<200x64xf32, #tpu.memory_space<vmem>>
      %dma_wait3A_238 = arith.constant 0 : i32
      %dma_wait3A_239 = tpu.memref_slice %arg6[%add3A_232, %dma_wait3A_238] : memref<128x200xi32, #tpu.memory_space<vmem>> -> memref<1x200xi32, #tpu.memory_space<vmem>>
      %dma_wait3A_240 = tpu.memref_squeeze %dma_wait3A_239 : memref<1x200xi32, #tpu.memory_space<vmem>> -> memref<200xi32, #tpu.memory_space<vmem>>
      %dma_wait3A_241 = arith.constant 0 : i32
      %dma_wait3A_242 = arith.constant 0 : i32
      %dma_wait3A_243 = tpu.memref_slice %arg3[%dma_wait3A_241, %dma_wait3A_242] : memref<1000000x64xf32, #tpu.memory_space<hbm>> -> memref<1000000x64xf32, #tpu.memory_space<hbm>>
      tpu.wait_indirect_dma semaphore(%arg12 : memref<!tpu.dma_semaphore, #tpu.memory_space<semaphore_mem>>) src(%dma_wait3A_243 : memref<1000000x64xf32, #tpu.memory_space<hbm>>) dst(%dma_wait3A_237 : memref<200x64xf32, #tpu.memory_space<vmem>>)
      %scan3A_244 = arith.constant 0 : i32
      %scan3A_245 = arith.constant 0 : i32
      %scan3A_246 = arith.constant 200 : i32
      %scan3A_247 = arith.addi %scan3A_245, %scan3A_246 : i32
      %scan3A_248 = arith.constant 2 : i32
      scf.for %scan3A_292 = %scan3A_245 to %scan3A_247 step %scan3A_248  : i32 {
        %get3A = arith.index_cast %scan3A_292 : i32 to index
        %get3A_293 = arith.constant 0 : index
        %get3A_294 = tpu.vector_load %arg8[%get3A, %get3A_293] {strides = array<i32>} : memref<200x64xf32, #tpu.memory_space<vmem>>, vector<1x16xf32>,
        %get3A_295 = vector.shape_cast %get3A_294 : vector<1x16xf32> to vector<16xf32>
        %get3A_296 = arith.constant 2 : i32
        %get3A_297 = arith.index_cast %get3A_296 : i32 to index
        %get3A_298 = arith.index_cast %scan3A_292 : i32 to index
        %get3A_299 = arith.constant 0 : index
        %get3A_300 = tpu.vector_load %arg7[%get3A_297, %get3A_298, %get3A_299] {strides = array<i32>} : memref<4x200x64xf32, #tpu.memory_space<vmem>>, vector<1x1x16xf32>,
        %get3A_301 = vector.shape_cast %get3A_300 : vector<1x1x16xf32> to vector<16xf32>
        %add3A_302 = arith.addf %get3A_301, %get3A_295 : vector<16xf32>
        %swap3A = arith.constant 2 : i32
        %swap3A_303 = arith.index_cast %swap3A : i32 to index
        %swap3A_304 = arith.index_cast %scan3A_292 : i32 to index
        %swap3A_305 = arith.constant 0 : index
        %swap3A_306 = tpu.vector_load %arg7[%swap3A_303, %swap3A_304, %swap3A_305] {strides = array<i32>} : memref<4x200x64xf32, #tpu.memory_space<vmem>>, vector<1x1x16xf32>,
        %swap3A_307 = vector.shape_cast %swap3A_306 : vector<1x1x16xf32> to vector<16xf32>
        %swap3A_308 = vector.shape_cast %add3A_302 : vector<16xf32> to vector<1x1x16xf32>
        tpu.vector_store %arg7[%swap3A_303, %swap3A_304, %swap3A_305], %swap3A_308 {strides = array<i32>} : memref<4x200x64xf32, #tpu.memory_space<vmem>>, vector<1x1x16xf32>,
        %get3A_309 = arith.constant 3 : i32
        %get3A_310 = arith.index_cast %get3A_309 : i32 to index
        %get3A_311 = arith.index_cast %scan3A_292 : i32 to index
        %get3A_312 = arith.constant 0 : index
        %get3A_313 = tpu.vector_load %arg7[%get3A_310, %get3A_311, %get3A_312] {strides = array<i32>} : memref<4x200x64xf32, #tpu.memory_space<vmem>>, vector<1x1x16xf32>,
        %get3A_314 = vector.shape_cast %get3A_313 : vector<1x1x16xf32> to vector<16xf32>
        %add3A_315 = arith.addf %get3A_314, %get3A_295 : vector<16xf32>
        %swap3A_316 = arith.constant 3 : i32
        %swap3A_317 = arith.index_cast %swap3A_316 : i32 to index
        %swap3A_318 = arith.index_cast %scan3A_292 : i32 to index
        %swap3A_319 = arith.constant 0 : index
        %swap3A_320 = tpu.vector_load %arg7[%swap3A_317, %swap3A_318, %swap3A_319] {strides = array<i32>} : memref<4x200x64xf32, #tpu.memory_space<vmem>>, vector<1x1x16xf32>,
        %swap3A_321 = vector.shape_cast %swap3A_320 : vector<1x1x16xf32> to vector<16xf32>
        %swap3A_322 = vector.shape_cast %add3A_315 : vector<16xf32> to vector<1x1x16xf32>
        tpu.vector_store %arg7[%swap3A_317, %swap3A_318, %swap3A_319], %swap3A_322 {strides = array<i32>} : memref<4x200x64xf32, #tpu.memory_space<vmem>>, vector<1x1x16xf32>,
        %get3A_323 = arith.index_cast %scan3A_292 : i32 to index
        %get3A_324 = arith.constant 16 : index
        %get3A_325 = tpu.vector_load %arg8[%get3A_323, %get3A_324] {strides = array<i32>} : memref<200x64xf32, #tpu.memory_space<vmem>>, vector<1x16xf32>,
        %get3A_326 = vector.shape_cast %get3A_325 : vector<1x16xf32> to vector<16xf32>
        %get3A_327 = arith.constant 2 : i32
        %get3A_328 = arith.index_cast %get3A_327 : i32 to index
        %get3A_329 = arith.index_cast %scan3A_292 : i32 to index
        %get3A_330 = arith.constant 16 : index
        %get3A_331 = tpu.vector_load %arg7[%get3A_328, %get3A_329, %get3A_330] {strides = array<i32>} : memref<4x200x64xf32, #tpu.memory_space<vmem>>, vector<1x1x16xf32>,
        %get3A_332 = vector.shape_cast %get3A_331 : vector<1x1x16xf32> to vector<16xf32>
        %add3A_333 = arith.addf %get3A_332, %get3A_326 : vector<16xf32>
        %swap3A_334 = arith.constant 2 : i32
        %swap3A_335 = arith.index_cast %swap3A_334 : i32 to index
        %swap3A_336 = arith.index_cast %scan3A_292 : i32 to index
        %swap3A_337 = arith.constant 16 : index
        %swap3A_338 = tpu.vector_load %arg7[%swap3A_335, %swap3A_336, %swap3A_337] {strides = array<i32>} : memref<4x200x64xf32, #tpu.memory_space<vmem>>, vector<1x1x16xf32>,
        %swap3A_339 = vector.shape_cast %swap3A_338 : vector<1x1x16xf32> to vector<16xf32>
        %swap3A_340 = vector.shape_cast %add3A_333 : vector<16xf32> to vector<1x1x16xf32>
        tpu.vector_store %arg7[%swap3A_335, %swap3A_336, %swap3A_337], %swap3A_340 {strides = array<i32>} : memref<4x200x64xf32, #tpu.memory_space<vmem>>, vector<1x1x16xf32>,
        %get3A_341 = arith.constant 3 : i32
        %get3A_342 = arith.index_cast %get3A_341 : i32 to index
        %get3A_343 = arith.index_cast %scan3A_292 : i32 to index
        %get3A_344 = arith.constant 16 : index
        %get3A_345 = tpu.vector_load %arg7[%get3A_342, %get3A_343, %get3A_344] {strides = array<i32>} : memref<4x200x64xf32, #tpu.memory_space<vmem>>, vector<1x1x16xf32>,
        %get3A_346 = vector.shape_cast %get3A_345 : vector<1x1x16xf32> to vector<16xf32>
        %add3A_347 = arith.addf %get3A_346, %get3A_326 : vector<16xf32>
        %swap3A_348 = arith.constant 3 : i32
        %swap3A_349 = arith.index_cast %swap3A_348 : i32 to index
        %swap3A_350 = arith.index_cast %scan3A_292 : i32 to index
        %swap3A_351 = arith.constant 16 : index
        %swap3A_352 = tpu.vector_load %arg7[%swap3A_349, %swap3A_350, %swap3A_351] {strides = array<i32>} : memref<4x200x64xf32, #tpu.memory_space<vmem>>, vector<1x1x16xf32>,
        %swap3A_353 = vector.shape_cast %swap3A_352 : vector<1x1x16xf32> to vector<16xf32>
        %swap3A_354 = vector.shape_cast %add3A_347 : vector<16xf32> to vector<1x1x16xf32>
        tpu.vector_store %arg7[%swap3A_349, %swap3A_350, %swap3A_351], %swap3A_354 {strides = array<i32>} : memref<4x200x64xf32, #tpu.memory_space<vmem>>, vector<1x1x16xf32>,
        %get3A_355 = arith.index_cast %scan3A_292 : i32 to index
        %get3A_356 = arith.constant 32 : index
        %get3A_357 = tpu.vector_load %arg8[%get3A_355, %get3A_356] {strides = array<i32>} : memref<200x64xf32, #tpu.memory_space<vmem>>, vector<1x16xf32>,
        %get3A_358 = vector.shape_cast %get3A_357 : vector<1x16xf32> to vector<16xf32>
        %get3A_359 = arith.constant 2 : i32
        %get3A_360 = arith.index_cast %get3A_359 : i32 to index
        %get3A_361 = arith.index_cast %scan3A_292 : i32 to index
        %get3A_362 = arith.constant 32 : index
        %get3A_363 = tpu.vector_load %arg7[%get3A_360, %get3A_361, %get3A_362] {strides = array<i32>} : memref<4x200x64xf32, #tpu.memory_space<vmem>>, vector<1x1x16xf32>,
        %get3A_364 = vector.shape_cast %get3A_363 : vector<1x1x16xf32> to vector<16xf32>
        %add3A_365 = arith.addf %get3A_364, %get3A_358 : vector<16xf32>
        %swap3A_366 = arith.constant 2 : i32
        %swap3A_367 = arith.index_cast %swap3A_366 : i32 to index
        %swap3A_368 = arith.index_cast %scan3A_292 : i32 to index
        %swap3A_369 = arith.constant 32 : index
        %swap3A_370 = tpu.vector_load %arg7[%swap3A_367, %swap3A_368, %swap3A_369] {strides = array<i32>} : memref<4x200x64xf32, #tpu.memory_space<vmem>>, vector<1x1x16xf32>,
        %swap3A_371 = vector.shape_cast %swap3A_370 : vector<1x1x16xf32> to vector<16xf32>
        %swap3A_372 = vector.shape_cast %add3A_365 : vector<16xf32> to vector<1x1x16xf32>
        tpu.vector_store %arg7[%swap3A_367, %swap3A_368, %swap3A_369], %swap3A_372 {strides = array<i32>} : memref<4x200x64xf32, #tpu.memory_space<vmem>>, vector<1x1x16xf32>,
        %get3A_373 = arith.constant 3 : i32
        %get3A_374 = arith.index_cast %get3A_373 : i32 to index
        %get3A_375 = arith.index_cast %scan3A_292 : i32 to index
        %get3A_376 = arith.constant 32 : index
        %get3A_377 = tpu.vector_load %arg7[%get3A_374, %get3A_375, %get3A_376] {strides = array<i32>} : memref<4x200x64xf32, #tpu.memory_space<vmem>>, vector<1x1x16xf32>,
        %get3A_378 = vector.shape_cast %get3A_377 : vector<1x1x16xf32> to vector<16xf32>
        %add3A_379 = arith.addf %get3A_378, %get3A_358 : vector<16xf32>
        %swap3A_380 = arith.constant 3 : i32
        %swap3A_381 = arith.index_cast %swap3A_380 : i32 to index
        %swap3A_382 = arith.index_cast %scan3A_292 : i32 to index
        %swap3A_383 = arith.constant 32 : index
        %swap3A_384 = tpu.vector_load %arg7[%swap3A_381, %swap3A_382, %swap3A_383] {strides = array<i32>} : memref<4x200x64xf32, #tpu.memory_space<vmem>>, vector<1x1x16xf32>,
        %swap3A_385 = vector.shape_cast %swap3A_384 : vector<1x1x16xf32> to vector<16xf32>
        %swap3A_386 = vector.shape_cast %add3A_379 : vector<16xf32> to vector<1x1x16xf32>
        tpu.vector_store %arg7[%swap3A_381, %swap3A_382, %swap3A_383], %swap3A_386 {strides = array<i32>} : memref<4x200x64xf32, #tpu.memory_space<vmem>>, vector<1x1x16xf32>,
        %get3A_387 = arith.index_cast %scan3A_292 : i32 to index
        %get3A_388 = arith.constant 48 : index
        %get3A_389 = tpu.vector_load %arg8[%get3A_387, %get3A_388] {strides = array<i32>} : memref<200x64xf32, #tpu.memory_space<vmem>>, vector<1x16xf32>,
        %get3A_390 = vector.shape_cast %get3A_389 : vector<1x16xf32> to vector<16xf32>
        %get3A_391 = arith.constant 2 : i32
        %get3A_392 = arith.index_cast %get3A_391 : i32 to index
        %get3A_393 = arith.index_cast %scan3A_292 : i32 to index
        %get3A_394 = arith.constant 48 : index
        %get3A_395 = tpu.vector_load %arg7[%get3A_392, %get3A_393, %get3A_394] {strides = array<i32>} : memref<4x200x64xf32, #tpu.memory_space<vmem>>, vector<1x1x16xf32>,
        %get3A_396 = vector.shape_cast %get3A_395 : vector<1x1x16xf32> to vector<16xf32>
        %add3A_397 = arith.addf %get3A_396, %get3A_390 : vector<16xf32>
        %swap3A_398 = arith.constant 2 : i32
        %swap3A_399 = arith.index_cast %swap3A_398 : i32 to index
        %swap3A_400 = arith.index_cast %scan3A_292 : i32 to index
        %swap3A_401 = arith.constant 48 : index
        %swap3A_402 = tpu.vector_load %arg7[%swap3A_399, %swap3A_400, %swap3A_401] {strides = array<i32>} : memref<4x200x64xf32, #tpu.memory_space<vmem>>, vector<1x1x16xf32>,
        %swap3A_403 = vector.shape_cast %swap3A_402 : vector<1x1x16xf32> to vector<16xf32>
        %swap3A_404 = vector.shape_cast %add3A_397 : vector<16xf32> to vector<1x1x16xf32>
        tpu.vector_store %arg7[%swap3A_399, %swap3A_400, %swap3A_401], %swap3A_404 {strides = array<i32>} : memref<4x200x64xf32, #tpu.memory_space<vmem>>, vector<1x1x16xf32>,
        %get3A_405 = arith.constant 3 : i32
        %get3A_406 = arith.index_cast %get3A_405 : i32 to index
        %get3A_407 = arith.index_cast %scan3A_292 : i32 to index
        %get3A_408 = arith.constant 48 : index
        %get3A_409 = tpu.vector_load %arg7[%get3A_406, %get3A_407, %get3A_408] {strides = array<i32>} : memref<4x200x64xf32, #tpu.memory_space<vmem>>, vector<1x1x16xf32>,
        %get3A_410 = vector.shape_cast %get3A_409 : vector<1x1x16xf32> to vector<16xf32>
        %add3A_411 = arith.addf %get3A_410, %get3A_390 : vector<16xf32>
        %swap3A_412 = arith.constant 3 : i32
        %swap3A_413 = arith.index_cast %swap3A_412 : i32 to index
        %swap3A_414 = arith.index_cast %scan3A_292 : i32 to index
        %swap3A_415 = arith.constant 48 : index
        %swap3A_416 = tpu.vector_load %arg7[%swap3A_413, %swap3A_414, %swap3A_415] {strides = array<i32>} : memref<4x200x64xf32, #tpu.memory_space<vmem>>, vector<1x1x16xf32>,
        %swap3A_417 = vector.shape_cast %swap3A_416 : vector<1x1x16xf32> to vector<16xf32>
        %swap3A_418 = vector.shape_cast %add3A_411 : vector<16xf32> to vector<1x1x16xf32>
        tpu.vector_store %arg7[%swap3A_413, %swap3A_414, %swap3A_415], %swap3A_418 {strides = array<i32>} : memref<4x200x64xf32, #tpu.memory_space<vmem>>, vector<1x1x16xf32>,
        %scan3A_419 = arith.constant 1 : i32
        %scan3A_420 = arith.addi %scan3A_292, %scan3A_419 : i32
        %get3A_421 = arith.index_cast %scan3A_420 : i32 to index
        %get3A_422 = arith.constant 0 : index
        %get3A_423 = tpu.vector_load %arg8[%get3A_421, %get3A_422] {strides = array<i32>} : memref<200x64xf32, #tpu.memory_space<vmem>>, vector<1x16xf32>,
        %get3A_424 = vector.shape_cast %get3A_423 : vector<1x16xf32> to vector<16xf32>
        %get3A_425 = arith.constant 2 : i32
        %get3A_426 = arith.index_cast %get3A_425 : i32 to index
        %get3A_427 = arith.index_cast %scan3A_420 : i32 to index
        %get3A_428 = arith.constant 0 : index
        %get3A_429 = tpu.vector_load %arg7[%get3A_426, %get3A_427, %get3A_428] {strides = array<i32>} : memref<4x200x64xf32, #tpu.memory_space<vmem>>, vector<1x1x16xf32>,
        %get3A_430 = vector.shape_cast %get3A_429 : vector<1x1x16xf32> to vector<16xf32>
        %add3A_431 = arith.addf %get3A_430, %get3A_424 : vector<16xf32>
        %swap3A_432 = arith.constant 2 : i32
        %swap3A_433 = arith.index_cast %swap3A_432 : i32 to index
        %swap3A_434 = arith.index_cast %scan3A_420 : i32 to index
        %swap3A_435 = arith.constant 0 : index
        %swap3A_436 = tpu.vector_load %arg7[%swap3A_433, %swap3A_434, %swap3A_435] {strides = array<i32>} : memref<4x200x64xf32, #tpu.memory_space<vmem>>, vector<1x1x16xf32>,
        %swap3A_437 = vector.shape_cast %swap3A_436 : vector<1x1x16xf32> to vector<16xf32>
        %swap3A_438 = vector.shape_cast %add3A_431 : vector<16xf32> to vector<1x1x16xf32>
        tpu.vector_store %arg7[%swap3A_433, %swap3A_434, %swap3A_435], %swap3A_438 {strides = array<i32>} : memref<4x200x64xf32, #tpu.memory_space<vmem>>, vector<1x1x16xf32>,
        %get3A_439 = arith.constant 3 : i32
        %get3A_440 = arith.index_cast %get3A_439 : i32 to index
        %get3A_441 = arith.index_cast %scan3A_420 : i32 to index
        %get3A_442 = arith.constant 0 : index
        %get3A_443 = tpu.vector_load %arg7[%get3A_440, %get3A_441, %get3A_442] {strides = array<i32>} : memref<4x200x64xf32, #tpu.memory_space<vmem>>, vector<1x1x16xf32>,
        %get3A_444 = vector.shape_cast %get3A_443 : vector<1x1x16xf32> to vector<16xf32>
        %add3A_445 = arith.addf %get3A_444, %get3A_424 : vector<16xf32>
        %swap3A_446 = arith.constant 3 : i32
        %swap3A_447 = arith.index_cast %swap3A_446 : i32 to index
        %swap3A_448 = arith.index_cast %scan3A_420 : i32 to index
        %swap3A_449 = arith.constant 0 : index
        %swap3A_450 = tpu.vector_load %arg7[%swap3A_447, %swap3A_448, %swap3A_449] {strides = array<i32>} : memref<4x200x64xf32, #tpu.memory_space<vmem>>, vector<1x1x16xf32>,
        %swap3A_451 = vector.shape_cast %swap3A_450 : vector<1x1x16xf32> to vector<16xf32>
        %swap3A_452 = vector.shape_cast %add3A_445 : vector<16xf32> to vector<1x1x16xf32>
        tpu.vector_store %arg7[%swap3A_447, %swap3A_448, %swap3A_449], %swap3A_452 {strides = array<i32>} : memref<4x200x64xf32, #tpu.memory_space<vmem>>, vector<1x1x16xf32>,
        %get3A_453 = arith.index_cast %scan3A_420 : i32 to index
        %get3A_454 = arith.constant 16 : index
        %get3A_455 = tpu.vector_load %arg8[%get3A_453, %get3A_454] {strides = array<i32>} : memref<200x64xf32, #tpu.memory_space<vmem>>, vector<1x16xf32>,
        %get3A_456 = vector.shape_cast %get3A_455 : vector<1x16xf32> to vector<16xf32>
        %get3A_457 = arith.constant 2 : i32
        %get3A_458 = arith.index_cast %get3A_457 : i32 to index
        %get3A_459 = arith.index_cast %scan3A_420 : i32 to index
        %get3A_460 = arith.constant 16 : index
        %get3A_461 = tpu.vector_load %arg7[%get3A_458, %get3A_459, %get3A_460] {strides = array<i32>} : memref<4x200x64xf32, #tpu.memory_space<vmem>>, vector<1x1x16xf32>,
        %get3A_462 = vector.shape_cast %get3A_461 : vector<1x1x16xf32> to vector<16xf32>
        %add3A_463 = arith.addf %get3A_462, %get3A_456 : vector<16xf32>
        %swap3A_464 = arith.constant 2 : i32
        %swap3A_465 = arith.index_cast %swap3A_464 : i32 to index
        %swap3A_466 = arith.index_cast %scan3A_420 : i32 to index
        %swap3A_467 = arith.constant 16 : index
        %swap3A_468 = tpu.vector_load %arg7[%swap3A_465, %swap3A_466, %swap3A_467] {strides = array<i32>} : memref<4x200x64xf32, #tpu.memory_space<vmem>>, vector<1x1x16xf32>,
        %swap3A_469 = vector.shape_cast %swap3A_468 : vector<1x1x16xf32> to vector<16xf32>
        %swap3A_470 = vector.shape_cast %add3A_463 : vector<16xf32> to vector<1x1x16xf32>
        tpu.vector_store %arg7[%swap3A_465, %swap3A_466, %swap3A_467], %swap3A_470 {strides = array<i32>} : memref<4x200x64xf32, #tpu.memory_space<vmem>>, vector<1x1x16xf32>,
        %get3A_471 = arith.constant 3 : i32
        %get3A_472 = arith.index_cast %get3A_471 : i32 to index
        %get3A_473 = arith.index_cast %scan3A_420 : i32 to index
        %get3A_474 = arith.constant 16 : index
        %get3A_475 = tpu.vector_load %arg7[%get3A_472, %get3A_473, %get3A_474] {strides = array<i32>} : memref<4x200x64xf32, #tpu.memory_space<vmem>>, vector<1x1x16xf32>,
        %get3A_476 = vector.shape_cast %get3A_475 : vector<1x1x16xf32> to vector<16xf32>
        %add3A_477 = arith.addf %get3A_476, %get3A_456 : vector<16xf32>
        %swap3A_478 = arith.constant 3 : i32
        %swap3A_479 = arith.index_cast %swap3A_478 : i32 to index
        %swap3A_480 = arith.index_cast %scan3A_420 : i32 to index
        %swap3A_481 = arith.constant 16 : index
        %swap3A_482 = tpu.vector_load %arg7[%swap3A_479, %swap3A_480, %swap3A_481] {strides = array<i32>} : memref<4x200x64xf32, #tpu.memory_space<vmem>>, vector<1x1x16xf32>,
        %swap3A_483 = vector.shape_cast %swap3A_482 : vector<1x1x16xf32> to vector<16xf32>
        %swap3A_484 = vector.shape_cast %add3A_477 : vector<16xf32> to vector<1x1x16xf32>
        tpu.vector_store %arg7[%swap3A_479, %swap3A_480, %swap3A_481], %swap3A_484 {strides = array<i32>} : memref<4x200x64xf32, #tpu.memory_space<vmem>>, vector<1x1x16xf32>,
        %get3A_485 = arith.index_cast %scan3A_420 : i32 to index
        %get3A_486 = arith.constant 32 : index
        %get3A_487 = tpu.vector_load %arg8[%get3A_485, %get3A_486] {strides = array<i32>} : memref<200x64xf32, #tpu.memory_space<vmem>>, vector<1x16xf32>,
        %get3A_488 = vector.shape_cast %get3A_487 : vector<1x16xf32> to vector<16xf32>
        %get3A_489 = arith.constant 2 : i32
        %get3A_490 = arith.index_cast %get3A_489 : i32 to index
        %get3A_491 = arith.index_cast %scan3A_420 : i32 to index
        %get3A_492 = arith.constant 32 : index
        %get3A_493 = tpu.vector_load %arg7[%get3A_490, %get3A_491, %get3A_492] {strides = array<i32>} : memref<4x200x64xf32, #tpu.memory_space<vmem>>, vector<1x1x16xf32>,
        %get3A_494 = vector.shape_cast %get3A_493 : vector<1x1x16xf32> to vector<16xf32>
        %add3A_495 = arith.addf %get3A_494, %get3A_488 : vector<16xf32>
        %swap3A_496 = arith.constant 2 : i32
        %swap3A_497 = arith.index_cast %swap3A_496 : i32 to index
        %swap3A_498 = arith.index_cast %scan3A_420 : i32 to index
        %swap3A_499 = arith.constant 32 : index
        %swap3A_500 = tpu.vector_load %arg7[%swap3A_497, %swap3A_498, %swap3A_499] {strides = array<i32>} : memref<4x200x64xf32, #tpu.memory_space<vmem>>, vector<1x1x16xf32>,
        %swap3A_501 = vector.shape_cast %swap3A_500 : vector<1x1x16xf32> to vector<16xf32>
        %swap3A_502 = vector.shape_cast %add3A_495 : vector<16xf32> to vector<1x1x16xf32>
        tpu.vector_store %arg7[%swap3A_497, %swap3A_498, %swap3A_499], %swap3A_502 {strides = array<i32>} : memref<4x200x64xf32, #tpu.memory_space<vmem>>, vector<1x1x16xf32>,
        %get3A_503 = arith.constant 3 : i32
        %get3A_504 = arith.index_cast %get3A_503 : i32 to index
        %get3A_505 = arith.index_cast %scan3A_420 : i32 to index
        %get3A_506 = arith.constant 32 : index
        %get3A_507 = tpu.vector_load %arg7[%get3A_504, %get3A_505, %get3A_506] {strides = array<i32>} : memref<4x200x64xf32, #tpu.memory_space<vmem>>, vector<1x1x16xf32>,
        %get3A_508 = vector.shape_cast %get3A_507 : vector<1x1x16xf32> to vector<16xf32>
        %add3A_509 = arith.addf %get3A_508, %get3A_488 : vector<16xf32>
        %swap3A_510 = arith.constant 3 : i32
        %swap3A_511 = arith.index_cast %swap3A_510 : i32 to index
        %swap3A_512 = arith.index_cast %scan3A_420 : i32 to index
        %swap3A_513 = arith.constant 32 : index
        %swap3A_514 = tpu.vector_load %arg7[%swap3A_511, %swap3A_512, %swap3A_513] {strides = array<i32>} : memref<4x200x64xf32, #tpu.memory_space<vmem>>, vector<1x1x16xf32>,
        %swap3A_515 = vector.shape_cast %swap3A_514 : vector<1x1x16xf32> to vector<16xf32>
        %swap3A_516 = vector.shape_cast %add3A_509 : vector<16xf32> to vector<1x1x16xf32>
        tpu.vector_store %arg7[%swap3A_511, %swap3A_512, %swap3A_513], %swap3A_516 {strides = array<i32>} : memref<4x200x64xf32, #tpu.memory_space<vmem>>, vector<1x1x16xf32>,
        %get3A_517 = arith.index_cast %scan3A_420 : i32 to index
        %get3A_518 = arith.constant 48 : index
        %get3A_519 = tpu.vector_load %arg8[%get3A_517, %get3A_518] {strides = array<i32>} : memref<200x64xf32, #tpu.memory_space<vmem>>, vector<1x16xf32>,
        %get3A_520 = vector.shape_cast %get3A_519 : vector<1x16xf32> to vector<16xf32>
        %get3A_521 = arith.constant 2 : i32
        %get3A_522 = arith.index_cast %get3A_521 : i32 to index
        %get3A_523 = arith.index_cast %scan3A_420 : i32 to index
        %get3A_524 = arith.constant 48 : index
        %get3A_525 = tpu.vector_load %arg7[%get3A_522, %get3A_523, %get3A_524] {strides = array<i32>} : memref<4x200x64xf32, #tpu.memory_space<vmem>>, vector<1x1x16xf32>,
        %get3A_526 = vector.shape_cast %get3A_525 : vector<1x1x16xf32> to vector<16xf32>
        %add3A_527 = arith.addf %get3A_526, %get3A_520 : vector<16xf32>
        %swap3A_528 = arith.constant 2 : i32
        %swap3A_529 = arith.index_cast %swap3A_528 : i32 to index
        %swap3A_530 = arith.index_cast %scan3A_420 : i32 to index
        %swap3A_531 = arith.constant 48 : index
        %swap3A_532 = tpu.vector_load %arg7[%swap3A_529, %swap3A_530, %swap3A_531] {strides = array<i32>} : memref<4x200x64xf32, #tpu.memory_space<vmem>>, vector<1x1x16xf32>,
        %swap3A_533 = vector.shape_cast %swap3A_532 : vector<1x1x16xf32> to vector<16xf32>
        %swap3A_534 = vector.shape_cast %add3A_527 : vector<16xf32> to vector<1x1x16xf32>
        tpu.vector_store %arg7[%swap3A_529, %swap3A_530, %swap3A_531], %swap3A_534 {strides = array<i32>} : memref<4x200x64xf32, #tpu.memory_space<vmem>>, vector<1x1x16xf32>,
        %get3A_535 = arith.constant 3 : i32
        %get3A_536 = arith.index_cast %get3A_535 : i32 to index
        %get3A_537 = arith.index_cast %scan3A_420 : i32 to index
        %get3A_538 = arith.constant 48 : index
        %get3A_539 = tpu.vector_load %arg7[%get3A_536, %get3A_537, %get3A_538] {strides = array<i32>} : memref<4x200x64xf32, #tpu.memory_space<vmem>>, vector<1x1x16xf32>,
        %get3A_540 = vector.shape_cast %get3A_539 : vector<1x1x16xf32> to vector<16xf32>
        %add3A_541 = arith.addf %get3A_540, %get3A_520 : vector<16xf32>
        %swap3A_542 = arith.constant 3 : i32
        %swap3A_543 = arith.index_cast %swap3A_542 : i32 to index
        %swap3A_544 = arith.index_cast %scan3A_420 : i32 to index
        %swap3A_545 = arith.constant 48 : index
        %swap3A_546 = tpu.vector_load %arg7[%swap3A_543, %swap3A_544, %swap3A_545] {strides = array<i32>} : memref<4x200x64xf32, #tpu.memory_space<vmem>>, vector<1x1x16xf32>,
        %swap3A_547 = vector.shape_cast %swap3A_546 : vector<1x1x16xf32> to vector<16xf32>
        %swap3A_548 = vector.shape_cast %add3A_541 : vector<16xf32> to vector<1x1x16xf32>
        tpu.vector_store %arg7[%swap3A_543, %swap3A_544, %swap3A_545], %swap3A_548 {strides = array<i32>} : memref<4x200x64xf32, #tpu.memory_space<vmem>>, vector<1x1x16xf32>,
      }
      %scan3A_249 = arith.constant 200 : i32
      %mul3A_250 = arith.constant 128 : i32
      %mul3A_251 = arith.muli %add3A, %mul3A_250 : i32
      %add3A_252 = arith.addi %mul3A_251, %add3A_205 : i32
      %dma_start3A_253 = arith.constant 2 : i32
      %dma_start3A_254 = arith.constant 0 : i32
      %dma_start3A_255 = arith.constant 0 : i32
      %dma_start3A_256 = tpu.memref_slice %arg7[%dma_start3A_253, %dma_start3A_254, %dma_start3A_255] : memref<4x200x64xf32, #tpu.memory_space<vmem>> -> memref<1x200x64xf32, #tpu.memory_space<vmem>>
      %dma_start3A_257 = tpu.memref_squeeze %dma_start3A_256 : memref<1x200x64xf32, #tpu.memory_space<vmem>> -> memref<200x64xf32, #tpu.memory_space<vmem>>
      %dma_start3A_258 = arith.constant 0 : i32
      %dma_start3A_259 = arith.constant 0 : i32
      %dma_start3A_260 = tpu.memref_slice %arg5[%add3A_252, %dma_start3A_258, %dma_start3A_259] : memref<4096x200x64xf32, #tpu.memory_space<hbm>> -> memref<1x200x64xf32, #tpu.memory_space<hbm>>
      %dma_start3A_261 = tpu.memref_squeeze %dma_start3A_260 : memref<1x200x64xf32, #tpu.memory_space<hbm>> -> memref<200x64xf32, #tpu.memory_space<hbm>>
      %dma_start3A_262 = arith.constant 0 : i32
      %dma_start3A_263 = arith.constant 0 : i32
      %dma_start3A_264 = tpu.memref_slice %arg5[%add3A_252, %dma_start3A_262, %dma_start3A_263] : memref<4096x200x64xf32, #tpu.memory_space<hbm>> -> memref<1x200x64xf32, #tpu.memory_space<hbm>>
      %dma_start3A_265 = tpu.memref_squeeze %dma_start3A_264 : memref<1x200x64xf32, #tpu.memory_space<hbm>> -> memref<200x64xf32, #tpu.memory_space<hbm>>
      %dma_start3A_266 = arith.constant 0 : i32
      %dma_start3A_267 = arith.constant 0 : i32
      %dma_start3A_268 = tpu.memref_slice %arg7[%dma_start3A_253, %dma_start3A_266, %dma_start3A_267] : memref<4x200x64xf32, #tpu.memory_space<vmem>> -> memref<1x200x64xf32, #tpu.memory_space<vmem>>
      %dma_start3A_269 = tpu.memref_squeeze %dma_start3A_268 : memref<1x200x64xf32, #tpu.memory_space<vmem>> -> memref<200x64xf32, #tpu.memory_space<vmem>>
      tpu.enqueue_dma source(%dma_start3A_269 : memref<200x64xf32, #tpu.memory_space<vmem>>) target(%dma_start3A_265 : memref<200x64xf32, #tpu.memory_space<hbm>>) target_semaphore(%arg15 : memref<!tpu.dma_semaphore, #tpu.memory_space<semaphore_mem>>)
      %add3A_270 = arith.constant 1 : i32
      %add3A_271 = arith.addi %add3A_205, %add3A_270 : i32
      %mul3A_272 = arith.constant 128 : i32
      %mul3A_273 = arith.muli %add3A, %mul3A_272 : i32
      %add3A_274 = arith.addi %mul3A_273, %add3A_271 : i32
      %dma_start3A_275 = arith.constant 3 : i32
      %dma_start3A_276 = arith.constant 0 : i32
      %dma_start3A_277 = arith.constant 0 : i32
      %dma_start3A_278 = tpu.memref_slice %arg7[%dma_start3A_275, %dma_start3A_276, %dma_start3A_277] : memref<4x200x64xf32, #tpu.memory_space<vmem>> -> memref<1x200x64xf32, #tpu.memory_space<vmem>>
      %dma_start3A_279 = tpu.memref_squeeze %dma_start3A_278 : memref<1x200x64xf32, #tpu.memory_space<vmem>> -> memref<200x64xf32, #tpu.memory_space<vmem>>
      %dma_start3A_280 = arith.constant 0 : i32
      %dma_start3A_281 = arith.constant 0 : i32
      %dma_start3A_282 = tpu.memref_slice %arg5[%add3A_274, %dma_start3A_280, %dma_start3A_281] : memref<4096x200x64xf32, #tpu.memory_space<hbm>> -> memref<1x200x64xf32, #tpu.memory_space<hbm>>
      %dma_start3A_283 = tpu.memref_squeeze %dma_start3A_282 : memref<1x200x64xf32, #tpu.memory_space<hbm>> -> memref<200x64xf32, #tpu.memory_space<hbm>>
      %dma_start3A_284 = arith.constant 0 : i32
      %dma_start3A_285 = arith.constant 0 : i32
      %dma_start3A_286 = tpu.memref_slice %arg5[%add3A_274, %dma_start3A_284, %dma_start3A_285] : memref<4096x200x64xf32, #tpu.memory_space<hbm>> -> memref<1x200x64xf32, #tpu.memory_space<hbm>>
      %dma_start3A_287 = tpu.memref_squeeze %dma_start3A_286 : memref<1x200x64xf32, #tpu.memory_space<hbm>> -> memref<200x64xf32, #tpu.memory_space<hbm>>
      %dma_start3A_288 = arith.constant 0 : i32
      %dma_start3A_289 = arith.constant 0 : i32
      %dma_start3A_290 = tpu.memref_slice %arg7[%dma_start3A_275, %dma_start3A_288, %dma_start3A_289] : memref<4x200x64xf32, #tpu.memory_space<vmem>> -> memref<1x200x64xf32, #tpu.memory_space<vmem>>
      %dma_start3A_291 = tpu.memref_squeeze %dma_start3A_290 : memref<1x200x64xf32, #tpu.memory_space<vmem>> -> memref<200x64xf32, #tpu.memory_space<vmem>>
      tpu.enqueue_dma source(%dma_start3A_291 : memref<200x64xf32, #tpu.memory_space<vmem>>) target(%dma_start3A_287 : memref<200x64xf32, #tpu.memory_space<hbm>>) target_semaphore(%arg16 : memref<!tpu.dma_semaphore, #tpu.memory_space<semaphore_mem>>)
    }
    %scan3A_30 = arith.constant 32 : i32
    %mul3A_31 = arith.constant 128 : i32
    %mul3A_32 = arith.muli %add3A, %mul3A_31 : i32
    %add3A_33 = arith.constant 124 : i32
    %add3A_34 = arith.addi %mul3A_32, %add3A_33 : i32
    %dma_wait3A = arith.constant 0 : i32
    %dma_wait3A_35 = arith.constant 0 : i32
    %dma_wait3A_36 = arith.constant 0 : i32
    %dma_wait3A_37 = tpu.memref_slice %arg7[%dma_wait3A, %dma_wait3A_35, %dma_wait3A_36] : memref<4x200x64xf32, #tpu.memory_space<vmem>> -> memref<1x200x64xf32, #tpu.memory_space<vmem>>
    %dma_wait3A_38 = tpu.memref_squeeze %dma_wait3A_37 : memref<1x200x64xf32, #tpu.memory_space<vmem>> -> memref<200x64xf32, #tpu.memory_space<vmem>>
    %dma_wait3A_39 = arith.constant 0 : i32
    %dma_wait3A_40 = arith.constant 0 : i32
    %dma_wait3A_41 = tpu.memref_slice %arg5[%add3A_34, %dma_wait3A_39, %dma_wait3A_40] : memref<4096x200x64xf32, #tpu.memory_space<hbm>> -> memref<1x200x64xf32, #tpu.memory_space<hbm>>
    %dma_wait3A_42 = tpu.memref_squeeze %dma_wait3A_41 : memref<1x200x64xf32, #tpu.memory_space<hbm>> -> memref<200x64xf32, #tpu.memory_space<hbm>>
    %dma_wait3A_43 = arith.constant 0 : i32
    %dma_wait3A_44 = arith.constant 0 : i32
    %dma_wait3A_45 = tpu.memref_slice %arg5[%add3A_34, %dma_wait3A_43, %dma_wait3A_44] : memref<4096x200x64xf32, #tpu.memory_space<hbm>> -> memref<1x200x64xf32, #tpu.memory_space<hbm>>
    %dma_wait3A_46 = tpu.memref_squeeze %dma_wait3A_45 : memref<1x200x64xf32, #tpu.memory_space<hbm>> -> memref<200x64xf32, #tpu.memory_space<hbm>>
    %dma_wait3A_47 = arith.constant 0 : i32
    %dma_wait3A_48 = arith.constant 0 : i32
    %dma_wait3A_49 = tpu.memref_slice %arg7[%dma_wait3A, %dma_wait3A_47, %dma_wait3A_48] : memref<4x200x64xf32, #tpu.memory_space<vmem>> -> memref<1x200x64xf32, #tpu.memory_space<vmem>>
    %dma_wait3A_50 = tpu.memref_squeeze %dma_wait3A_49 : memref<1x200x64xf32, #tpu.memory_space<vmem>> -> memref<200x64xf32, #tpu.memory_space<vmem>>
    tpu.wait_dma2 semaphore(%arg13 : memref<!tpu.dma_semaphore, #tpu.memory_space<semaphore_mem>>) src(%dma_wait3A_50 : memref<200x64xf32, #tpu.memory_space<vmem>>) dst(%dma_wait3A_46 : memref<200x64xf32, #tpu.memory_space<hbm>>)
    %mul3A_51 = arith.constant 128 : i32
    %mul3A_52 = arith.muli %add3A, %mul3A_51 : i32
    %add3A_53 = arith.constant 125 : i32
    %add3A_54 = arith.addi %mul3A_52, %add3A_53 : i32
    %dma_wait3A_55 = arith.constant 1 : i32
    %dma_wait3A_56 = arith.constant 0 : i32
    %dma_wait3A_57 = arith.constant 0 : i32
    %dma_wait3A_58 = tpu.memref_slice %arg7[%dma_wait3A_55, %dma_wait3A_56, %dma_wait3A_57] : memref<4x200x64xf32, #tpu.memory_space<vmem>> -> memref<1x200x64xf32, #tpu.memory_space<vmem>>
    %dma_wait3A_59 = tpu.memref_squeeze %dma_wait3A_58 : memref<1x200x64xf32, #tpu.memory_space<vmem>> -> memref<200x64xf32, #tpu.memory_space<vmem>>
    %dma_wait3A_60 = arith.constant 0 : i32
    %dma_wait3A_61 = arith.constant 0 : i32
    %dma_wait3A_62 = tpu.memref_slice %arg5[%add3A_54, %dma_wait3A_60, %dma_wait3A_61] : memref<4096x200x64xf32, #tpu.memory_space<hbm>> -> memref<1x200x64xf32, #tpu.memory_space<hbm>>
    %dma_wait3A_63 = tpu.memref_squeeze %dma_wait3A_62 : memref<1x200x64xf32, #tpu.memory_space<hbm>> -> memref<200x64xf32, #tpu.memory_space<hbm>>
    %dma_wait3A_64 = arith.constant 0 : i32
    %dma_wait3A_65 = arith.constant 0 : i32
    %dma_wait3A_66 = tpu.memref_slice %arg5[%add3A_54, %dma_wait3A_64, %dma_wait3A_65] : memref<4096x200x64xf32, #tpu.memory_space<hbm>> -> memref<1x200x64xf32, #tpu.memory_space<hbm>>
    %dma_wait3A_67 = tpu.memref_squeeze %dma_wait3A_66 : memref<1x200x64xf32, #tpu.memory_space<hbm>> -> memref<200x64xf32, #tpu.memory_space<hbm>>
    %dma_wait3A_68 = arith.constant 0 : i32
    %dma_wait3A_69 = arith.constant 0 : i32
    %dma_wait3A_70 = tpu.memref_slice %arg7[%dma_wait3A_55, %dma_wait3A_68, %dma_wait3A_69] : memref<4x200x64xf32, #tpu.memory_space<vmem>> -> memref<1x200x64xf32, #tpu.memory_space<vmem>>
    %dma_wait3A_71 = tpu.memref_squeeze %dma_wait3A_70 : memref<1x200x64xf32, #tpu.memory_space<vmem>> -> memref<200x64xf32, #tpu.memory_space<vmem>>
    tpu.wait_dma2 semaphore(%arg14 : memref<!tpu.dma_semaphore, #tpu.memory_space<semaphore_mem>>) src(%dma_wait3A_71 : memref<200x64xf32, #tpu.memory_space<vmem>>) dst(%dma_wait3A_67 : memref<200x64xf32, #tpu.memory_space<hbm>>)
    %mul3A_72 = arith.constant 128 : i32
    %mul3A_73 = arith.muli %add3A, %mul3A_72 : i32
    %add3A_74 = arith.constant 126 : i32
    %add3A_75 = arith.addi %mul3A_73, %add3A_74 : i32
    %dma_wait3A_76 = arith.constant 2 : i32
    %dma_wait3A_77 = arith.constant 0 : i32
    %dma_wait3A_78 = arith.constant 0 : i32
    %dma_wait3A_79 = tpu.memref_slice %arg7[%dma_wait3A_76, %dma_wait3A_77, %dma_wait3A_78] : memref<4x200x64xf32, #tpu.memory_space<vmem>> -> memref<1x200x64xf32, #tpu.memory_space<vmem>>
    %dma_wait3A_80 = tpu.memref_squeeze %dma_wait3A_79 : memref<1x200x64xf32, #tpu.memory_space<vmem>> -> memref<200x64xf32, #tpu.memory_space<vmem>>
    %dma_wait3A_81 = arith.constant 0 : i32
    %dma_wait3A_82 = arith.constant 0 : i32
    %dma_wait3A_83 = tpu.memref_slice %arg5[%add3A_75, %dma_wait3A_81, %dma_wait3A_82] : memref<4096x200x64xf32, #tpu.memory_space<hbm>> -> memref<1x200x64xf32, #tpu.memory_space<hbm>>
    %dma_wait3A_84 = tpu.memref_squeeze %dma_wait3A_83 : memref<1x200x64xf32, #tpu.memory_space<hbm>> -> memref<200x64xf32, #tpu.memory_space<hbm>>
    %dma_wait3A_85 = arith.constant 0 : i32
    %dma_wait3A_86 = arith.constant 0 : i32
    %dma_wait3A_87 = tpu.memref_slice %arg5[%add3A_75, %dma_wait3A_85, %dma_wait3A_86] : memref<4096x200x64xf32, #tpu.memory_space<hbm>> -> memref<1x200x64xf32, #tpu.memory_space<hbm>>
    %dma_wait3A_88 = tpu.memref_squeeze %dma_wait3A_87 : memref<1x200x64xf32, #tpu.memory_space<hbm>> -> memref<200x64xf32, #tpu.memory_space<hbm>>
    %dma_wait3A_89 = arith.constant 0 : i32
    %dma_wait3A_90 = arith.constant 0 : i32
    %dma_wait3A_91 = tpu.memref_slice %arg7[%dma_wait3A_76, %dma_wait3A_89, %dma_wait3A_90] : memref<4x200x64xf32, #tpu.memory_space<vmem>> -> memref<1x200x64xf32, #tpu.memory_space<vmem>>
    %dma_wait3A_92 = tpu.memref_squeeze %dma_wait3A_91 : memref<1x200x64xf32, #tpu.memory_space<vmem>> -> memref<200x64xf32, #tpu.memory_space<vmem>>
    tpu.wait_dma2 semaphore(%arg15 : memref<!tpu.dma_semaphore, #tpu.memory_space<semaphore_mem>>) src(%dma_wait3A_92 : memref<200x64xf32, #tpu.memory_space<vmem>>) dst(%dma_wait3A_88 : memref<200x64xf32, #tpu.memory_space<hbm>>)
    %mul3A_93 = arith.constant 128 : i32
    %mul3A_94 = arith.muli %add3A, %mul3A_93 : i32
    %add3A_95 = arith.constant 127 : i32
    %add3A_96 = arith.addi %mul3A_94, %add3A_95 : i32
    %dma_wait3A_97 = arith.constant 3 : i32
    %dma_wait3A_98 = arith.constant 0 : i32
    %dma_wait3A_99 = arith.constant 0 : i32
    %dma_wait3A_100 = tpu.memref_slice %arg7[%dma_wait3A_97, %dma_wait3A_98, %dma_wait3A_99] : memref<4x200x64xf32, #tpu.memory_space<vmem>> -> memref<1x200x64xf32, #tpu.memory_space<vmem>>
    %dma_wait3A_101 = tpu.memref_squeeze %dma_wait3A_100 : memref<1x200x64xf32, #tpu.memory_space<vmem>> -> memref<200x64xf32, #tpu.memory_space<vmem>>
    %dma_wait3A_102 = arith.constant 0 : i32
    %dma_wait3A_103 = arith.constant 0 : i32
    %dma_wait3A_104 = tpu.memref_slice %arg5[%add3A_96, %dma_wait3A_102, %dma_wait3A_103] : memref<4096x200x64xf32, #tpu.memory_space<hbm>> -> memref<1x200x64xf32, #tpu.memory_space<hbm>>
    %dma_wait3A_105 = tpu.memref_squeeze %dma_wait3A_104 : memref<1x200x64xf32, #tpu.memory_space<hbm>> -> memref<200x64xf32, #tpu.memory_space<hbm>>
    %dma_wait3A_106 = arith.constant 0 : i32
    %dma_wait3A_107 = arith.constant 0 : i32
    %dma_wait3A_108 = tpu.memref_slice %arg5[%add3A_96, %dma_wait3A_106, %dma_wait3A_107] : memref<4096x200x64xf32, #tpu.memory_space<hbm>> -> memref<1x200x64xf32, #tpu.memory_space<hbm>>
    %dma_wait3A_109 = tpu.memref_squeeze %dma_wait3A_108 : memref<1x200x64xf32, #tpu.memory_space<hbm>> -> memref<200x64xf32, #tpu.memory_space<hbm>>
    %dma_wait3A_110 = arith.constant 0 : i32
    %dma_wait3A_111 = arith.constant 0 : i32
    %dma_wait3A_112 = tpu.memref_slice %arg7[%dma_wait3A_97, %dma_wait3A_110, %dma_wait3A_111] : memref<4x200x64xf32, #tpu.memory_space<vmem>> -> memref<1x200x64xf32, #tpu.memory_space<vmem>>
    %dma_wait3A_113 = tpu.memref_squeeze %dma_wait3A_112 : memref<1x200x64xf32, #tpu.memory_space<vmem>> -> memref<200x64xf32, #tpu.memory_space<vmem>>
    tpu.wait_dma2 semaphore(%arg16 : memref<!tpu.dma_semaphore, #tpu.memory_space<semaphore_mem>>) src(%dma_wait3A_113 : memref<200x64xf32, #tpu.memory_space<vmem>>) dst(%dma_wait3A_109 : memref<200x64xf32, #tpu.memory_space<hbm>>)
    return
  }
}

</mosaic_0001>

<sc_bundles>
// kernel: kernel.3.cloned.1.call-start
scs
__scs_entry_jumppad:
0x0: {  	(pc) =	sbr.rel $0x88, $3  }
0x1: {  	(tag) =	ssettag $0x0;
	lr =	simm.s32 $0x1  }
0x2: {  	[smem:$0x3F9F] =	sst lr;
	_ =	strace $0xD0000000  }
0x3: {  	_ = 	snop  }
0x4: {  	_ = 	snop  }
0x5: {  	_ = 	snop  }
0x6: {  	_ = 	snop  }
0x7: {  	_ = 	snop  }
__scs_overlays_trampoline_lowered:
0x8: {  	[smem:$0x3FAE] =	sst s0  }
0x9: {  	[smem:$0x3FAF] =	sst s1  }
0xa: {  	[smem:$0x3FB0] =	sst s2  }
0xb: {  	[smem:$0x3FB1] =	sst s3  }
0xc: {  	[smem:$0x3FB2] =	sst s4  }
0xd: {  	[smem:$0x3FB3] =	sst s5  }
0xe: {  	[smem:$0x3FB4] =	sst s6  }
0xf: {  	[smem:$0x3FB5] =	sst s7  }
0x10: {  	[smem:$0x3FB6] =	sst s8  }
0x11: {  	[smem:$0x3FB7] =	sst s9;
	s0 =	simm.s32 @!p0 $0x0  }
0x12: {  	s1 =	sld [smem:$0x3F9D];
	s0 =	simm.s32 @p0 $0x1  }
0x13: {  	[smem:$0x3FB8] =	sst s0;
	s0 =	simm.s32 @!p1 $0x0  }
0x14: {  	s2 =	sld [smem:$0x3F9C];
	s0 =	simm.s32 @p1 $0x1  }
0x15: {  	[smem:$0x3FB9] =	sst s0;
	s0 =	simm.s32 @!p2 $0x0  }
0x16: {  	s3 =	sld [smem:$0x3FDB];
	s0 =	simm.s32 @p2 $0x1  }
0x17: {  	s4 =	simm.s32 $0x1BF5;
	[smem:$0x3FBB] =	sst s0  }
0x18: {  	s0 =	sld [smem:$0x3F9E];
	_ =	swait.ge [sflag:s4], $0x0  }
0x19: {  	s7 =	sld [smem:$0x3F9F]  }
0x1a: {  	s8 =	sadd.s32 $0xFFFFE003, lr  }
0x1b: {  	s9 =	sadd.s32 $0xFFFFFEF7, lr;
	s5 =	simm.s32 $0xFFFFFFFF;
	p2 =	slt.u32 s8, $0xFFFFF086  }
0x1c: {  	p1 =	slt.u32 s9, $0xF7A;
	s5 =	simm.s32 @!p2 $0x0  }
0x1d: {  	s5 =	simm.s32 @p1 $0x1;
	p0 =	seq.s32 s7, s2  }
0x1e: {  	s7 =	smul.u32 @!p0 $0xF7A, s2;
	p2 =	seq.s32 @!p0 s5, $0x0  }
0x1f: {  	s9 =	smul.u32 $0xF7A, s1;
	s8 =	simm.s32 @!p0 $0x1BF5;
	p2 =	por !p2, p0  }
0x20: {  	[sflag:s8] =	ssyncset.s32 @!p0 $0xFFFFF086;
	s6 =	sadd.s32 @!p0 s3, s7;
	s7 =	simm.s32 @!p0 $0x108  }
0x21: {  	s3 =	sadd.s32 s3, s9;
	s6 =	sadd.s32 @!p0 $0x88, s6;
	s7 =	simm.s32 @p2 $0x1082  }
0x22: {  	[simem:s7], [sflag:s8] =	dma.local @!p0 [hbm:s6], $0xF7A  }
0x23: {  	s9 =	sor.u32 $0xD0000000, s2;
	s6 =	simm.s32 $0x108;
	_ =	swait.ge @!p0 [sflag:s8], $0x0  }
0x24: {  	s3 =	sadd.s32 $0x88, s3;
	s6 =	simm.s32 @!p1 $0x1082;
	[sflag:s4] =	ssyncset.s32 $0xFFFFF086  }
0x25: {  	[simem:s6], [sflag:s4] =	dma.local [hbm:s3], $0xF7A  }
0x26: {  	[smem:$0x3F9F] =	sst s1;
	(tag) =	ssettag s2;
	_ =	strace s9  }
0x27: {  	s1 =	sld [smem:$0x3FAF]  }
0x28: {  	s2 =	sld [smem:$0x3FB0]  }
0x29: {  	s4 =	sld [smem:$0x3FB2]  }
0x2a: {  	p0 =	seq.s32 s5, $0x0;
	s5 =	sld [smem:$0x3FB3]  }
0x2b: {  	s6 =	sld [smem:$0x3FB4]  }
0x2c: {  	s7 =	sld [smem:$0x3FB5]  }
0x2d: {  	s3 =	simm.s32 $0x108;
	s8 =	sld [smem:$0x3FB6]  }
0x2e: {  	s3 =	simm.s32 @!p0 $0x1082;
	s9 =	sld [smem:$0x3FB7]  }
0x2f: {  	lr =	sadd.s32 s0, s3;
	s0 =	sld [smem:$0x3FAE]  }
0x30: {  	s3 =	sld [smem:$0x3FB1]  }
0x31: {  	[smem:$0x3FBA] =	sst s10  }
0x32: {  	s10 =	sld [smem:$0x3FB8];
	_ =	sdelay $0x3  }
0x33: {  	p0 =	seq.s32 s10, $0x1;
	s10 =	sld [smem:$0x3FBA];
	_ =	sdelay $0x3  }
0x34: {  	[smem:$0x3FBA] =	sst s10  }
0x35: {  	s10 =	sld [smem:$0x3FB9];
	_ =	sdelay $0x3  }
0x36: {  	p1 =	seq.s32 s10, $0x1;
	s10 =	sld [smem:$0x3FBA];
	_ =	sdelay $0x3  }
0x37: {  	[smem:$0x3FBA] =	sst s10  }
0x38: {  	s10 =	sld [smem:$0x3FBB]  }
0x39: {  	_ = 	snop;
	(pc) =	sbr.ind lr, $3  }
0x3a: {  	_ = 	snop  }
0x3b: {  	_ = 	snop  }
0x3c: {  	p2 =	seq.s32 s10, $0x1;
	s10 =	sld [smem:$0x3FBA]  }
0x3d: {  	_ =	shalt  }
0x3e: {  	_ =	shalt  }
0x3f: {  	_ =	shalt  }
0x40: {  	_ =	shalt  }
0x41: {  	_ =	shalt  }
0x42: {  	_ =	shalt  }
0x43: {  	_ =	shalt  }
0x44: {  	_ =	shalt  }
0x45: {  	_ =	shalt  }
0x46: {  	_ =	shalt  }
0x47: {  	_ =	shalt  }
0x48: {  	_ =	shalt  }
0x49: {  	_ =	shalt  }
0x4a: {  	_ =	shalt  }
0x4b: {  	_ =	shalt  }
0x4c: {  	_ =	shalt  }
0x4d: {  	_ =	shalt  }
0x4e: {  	_ =	shalt  }
0x4f: {  	_ =	shalt  }
0x50: {  	_ =	shalt  }
0x51: {  	_ =	shalt  }
0x52: {  	_ =	shalt  }
0x53: {  	_ =	shalt  }
0x54: {  	_ =	shalt  }
0x55: {  	_ =	shalt  }
0x56: {  	_ =	shalt  }
0x57: {  	_ =	shalt  }
0x58: {  	_ =	shalt  }
0x59: {  	_ =	shalt  }
0x5a: {  	_ =	shalt  }
0x5b: {  	_ =	shalt  }
0x5c: {  	_ =	shalt  }
0x5d: {  	_ =	shalt  }
0x5e: {  	_ =	shalt  }
0x5f: {  	_ =	shalt  }
0x60: {  	_ =	shalt  }
0x61: {  	_ =	shalt  }
0x62: {  	_ =	shalt  }
0x63: {  	_ =	shalt  }
0x64: {  	_ =	shalt  }
0x65: {  	_ =	shalt  }
0x66: {  	_ =	shalt  }
0x67: {  	_ =	shalt  }
0x68: {  	_ =	shalt  }
0x69: {  	_ =	shalt  }
0x6a: {  	_ =	shalt  }
0x6b: {  	_ =	shalt  }
0x6c: {  	_ =	shalt  }
0x6d: {  	_ =	shalt  }
0x6e: {  	_ =	shalt  }
0x6f: {  	_ =	shalt  }
0x70: {  	_ =	shalt  }
0x71: {  	_ =	shalt  }
0x72: {  	_ =	shalt  }
0x73: {  	_ =	shalt  }
0x74: {  	_ =	shalt  }
0x75: {  	_ =	shalt  }
0x76: {  	_ =	shalt  }
0x77: {  	_ =	shalt  }
0x78: {  	_ =	shalt  }
0x79: {  	_ =	shalt  }
0x7a: {  	_ =	shalt  }
0x7b: {  	_ =	shalt  }
0x7c: {  	_ =	shalt  }
0x7d: {  	_ =	shalt  }
0x7e: {  	_ =	shalt  }
0x7f: {  	_ =	shalt  }
0x80: {  	_ =	shalt  }
0x81: {  	_ =	shalt  }
0x82: {  	_ =	shalt  }
0x83: {  	_ =	shalt  }
0x84: {  	_ =	shalt  }
0x85: {  	_ =	shalt  }
0x86: {  	_ =	shalt  }
0x87: {  	_ =	shalt  }
.Lfunc_end0:
.L_simem_size_0:
called_computation.1_lowered:
.L_overlay_start_0:
0x88: {  	s2 =	sld [smem:$0x3FD9]  }
0x89: {  	s3 =	sld [smem:$0x3FFE];
	_ =	sdelay $0x1  }
0x8a: {  	s1 =	srdreg.scid  }
0x8b: {  	s0 =	sand.u32 $0x1, s1  }
0x8c: {  	s17 =	sshll.u32 s0, $0xA;
	s2 =	sadd.s32 s3, s2  }
0x8d: {  	s2 =	sadd.s32 s2, s17  }
0x8e: {  	[smem:$0x3FC6] =	sst s2  }
0x8f: {  	_ = 	snop  }
0x90: {  	s2 =	sld [smem:$0x3FD0];
	(tm) =	ssettm $0x1  }
0x91: {  	s18 =	sld [smem:$0x3FFB];
	_ =	sdelay $0x3  }
0x92: {  	_ =	strace s18  }
0x93: {  	s3 =	sld [smem:$0x3FFC];
	_ =	sdelay $0x3  }
0x94: {  	_ =	strace s3  }
0x95: {  	s3 =	sld [smem:$0x3FFD];
	_ =	sdelay $0x3  }
0x96: {  	_ =	strace s3  }
0x97: {  	_ =	strace $0x8FFFFFFF  }
0x98: {  	s19 =	sld [smem:$0x3FDB];
	_ =	sdelay $0x1  }
0x99: {  	s4 =	simm.s32 $_scs_section_size  }
0x9a: {  	s5 =	simm.s32 $_size__tile_overlayer_lowered;
	s6 =	simm.s32 $_tile_overlayer_lowered  }
0x9b: {  	s22 =	simm.s32 $0x1BFF;
	s21 =	sshll.u32 s6, $0x1;
	s3 =	sadd.s32 s4, s19  }
0x9c: {  	s7 =	simm.s32 $0x0;
	s20 =	sshll.u32 s5, $0x1;
	s5 =	sadd.s32 s21, s3  }
0x9d: {  	[timem:s7], [sflag:s22] =	dma.local [hbm:s5], s20  }
0x9e: {  	_ =	swait.ge [sflag:s22], s20  }
0x9f: {  	s4 =	ssub.s32 $0x0, s20;
	[sflag:s22] =	ssyncset.done $0x0  }
0xa0: {  	[sflag:s22] =	ssyncadd.s32 s4;
	_ =	sdelay $0x1  }
0xa1: {  	s23 =	simm.s32 $0x1B8B  }
0xa2: {  	_ =	swait.ge [sflag:s23], $0x1  }
0xa3: {  	[sflag:s23] =	ssyncset.done $0x0  }
0xa4: {  	s25 =	simm.s32 $0x1B8E;
	s24 =	sld [smem:$0x3FFE];
	[sflag:s23] =	ssyncadd.s32 $0xFFFFFFFF  }
0xa5: {  	s26 =	simm.s32 $execute0_lowered;
	[smem:$0x3FD2] =	sst s25  }
0xa6: {  	s5 =	sshll.u32 s26, $0x1;
	_ =	strace $0x80000046;
	[dreg:$0x1] =	wrdreg $0xFFFFFFFF  }
0xa7: {  	s28 =	simm.s32 $_size_execute0_lowered;
	s3 =	sadd.s32 s3, s5;
	[dreg:$0x0] =	wrdreg $0x0  }
0xa8: {  	s5 =	sshll.u32 s28, $0x1;
	[dreg:$0x2] =	wrdreg s3  }
0xa9: {  	[dreg:$0x3] =	wrdreg s5  }
0xaa: {  	[dreg:$0x4] =	wrdreg $0xC0  }
0xab: {  	_ =	task [dreg:s7], $0x5FFFF  }
0xac: {  	[dreg:$0x1] =	wrdreg $0xFFFFFFFF  }
0xad: {  	[dreg:$0x0] =	wrdreg $0x60  }
0xae: {  	[dreg:$0x2] =	wrdreg s24  }
0xaf: {  	[dreg:$0x3] =	wrdreg s2  }
0xb0: {  	[dreg:$0x4] =	wrdreg $0x9  }
0xb1: {  	_ =	task.clear_ibuf [dreg:s7], $0x5FFFF;
	_ =	strace $0x90000046  }
0xb2: {  	s29 =	simm.s32 $0x9;
	_ =	strace $0x80000048  }
0xb3: {  	_ =	swait.ge [sflag:s29], $0x1  }
0xb4: {  	[sflag:s29] =	ssyncadd.s32 $0xFFFFFFFF  }
0xb5: {  	_ =	strace $0x90000048  }
0xb6: {  	_ =	sfence  }
0xb7: {  	s30 =	sld [smem:$0x0];
	_ =	sdelay $0x2  }
0xb8: {  	s31 =	sshll.u32 s1, $0xD;
	s1 =	sshrl.u32 s1, $0x2  }
0xb9: {  	s3 =	sand.u32 $0x4000, s31;
	s1 =	sadd.s32 s1, s30  }
0xba: {  	s0 =	sor.u32 s3, s0;
	s1 =	sshll.u32 s1, $0x11  }
0xbb: {  	s0 =	sor.u32 s1, s0  }
0xbc: {  	s0 =	sadd.s32 $0x8F2B, s0  }
0xbd: {  	[sflag:s0] =	ssyncadd.remote.s32 $0x1  }
0xbe: {  	_ =	sfence.sel $0xFFFF  }
0xbf: {  	[dreg:$0x0] =	wrdreg $0xFFFFFFFF;
	(pc) =	sbr.abs _section_cstart, $3  }
0xc0: {  	[dreg:$0x1] =	wrdreg $0xFFFFFFFF  }
0xc1: {  	_ =	task.clear_ibuf [dreg:s7], $0x2FFFF;
	_ =	strace $0x9FFFFFFF  }
0xc2: {  	(tm) =	ssettm $0x7FFFFFFF  }
0xc3: {  	_ =	shalt  }
tec
execute0_lowered:
.L_overlay_start_1:
0x0: {  	(tag) =	ssettag $0x1  }
0x1: {  	s0 =	srdreg.scid  }
0x2: {  	s2 =	stileid.u32;
	s1 =	rddreg [dreg:$0x0]  }
0x3: {  	s9 =	simm.s32 $0x9;
	s10 =	simm.s32 $0x12C00;
	s11 =	simm.s32 $0xC8  }
0x4: {  	s12 =	simm.s32 $0x6400;
	s13 =	simm.s32 $0x9600;
	s14 =	simm.s32 $0xFA00  }
0x5: {  	s15 =	simm.s32 $0x1;
	s16 =	simm.s32 $0x2;
	s17 =	simm.s32 $0x3  }
0x6: {  	s18 =	simm.s32 $0x4;
	s19 =	simm.s32 $0xC800;
	s20 =	simm.s32 $0x5  }
0x7: {  	s21 =	simm.s32 $0x6;
	s22 =	simm.s32 $0x7;
	s0 =	sand.u32 $0x1, s0  }
0x8: {  	s23 =	simm.s32 $0x8;
	s3 =	sshll.u32 s2, $0x8;
	s4 =	sshll.u32 s0, $0x7  }
0x9: {  	s24 =	simm.s32 $0x0;
	s2 =	rddreg [dreg:$0x1];
	s3 =	sor.u32 s4, s3  }
0xa: {  	s0 =	ssub.s32 $0x2, s0;
	s4 =	simm.s32 $0x0;
	s5 =	smul.u32 $0x19, s3  }
0xb: {  	s6 =	sadd.s32 $0x19C00, s1;
	s8 =	sshrl.u32 s0, $0x1;
	[smem:$0x7FF] =	sst s4  }
0xc: {  	s0 =	ssub.s32 s0, s8;
	_ =	strace $0x80000047;
	s7 =	sadd.s32 s5, s1  }
0xd: {  	s8 =	smax.u32 s0, $0x1;
	s5 =	sadd.s32 $0xF43000, s1;
	s7 =	sadd.s32 $0xC00, s7  }
.LBB2_1:
0xe: {  	[tilespmem:s4], [sflag:$0x9] =	stream.linear.gather [hbm4b:s7+s4], $0x6400, $0x38;
	[tilespmem:$0x15E00] =	vst v63  }
0xf: {  	_ =	swait.ge [sflag:s9], $0x6400  }
0x10: {  	[sflag:s9] =	ssyncset.done $0x0  }
0x11: {  	[sflag:s9] =	ssyncadd.s32 $0xFFFF9C00  }
0x12: {  	[tilespmem:s10], [sflag:$0x9] =	stream.linear.gather [hbm4b:s6+s4], $0x3200, $0x38;
	[tilespmem:$0x15E00] =	vst v63  }
0x13: {  	_ =	swait.ge [sflag:s9], $0x3200  }
0x14: {  	[sflag:s9] =	ssyncset.done $0x0  }
0x15: {  	[sflag:s9] =	ssyncadd.s32 $0xFFFFCE00  }
0x16: {  	[tilespmem:s12], [sflag:$0x1] =	stream.indirect.gather [hbm4b:s5+s11], $0x40, s4, s11, $0xb8;
	[tilespmem:$0x15E00] =	vst v63  }
0x17: {  	s25 =	simm.s32 $0x0  }
0x18: {  	[tilespmem:s13], [sflag:$0x2] =	stream.indirect.gather [hbm4b:s5+s11], $0x40, s11, s11, $0xb8;
	[tilespmem:$0x15E00] =	vst v63  }
.LBB2_2:
0x19: {  	p0 =	sne.s32 s25, $0x0;
	s29 =	sshll.u32 s25, $0x2  }
0x1a: {  	s0 =	simm.s32 @p0 $0x7;
	s26 =	sor.u32 $0x2, s29  }
0x1b: {  	_ =	swait.ge @p0 [sflag:s0], $0x3200;
	s1 =	smul.u32 @p0 $0x320, s26  }
0x1c: {  	s28 =	simm.s32 @p0 $0xC800;
	[sflag:s0] =	ssyncset.done @p0 $0x0  }
0x1d: {  	[sflag:s0] =	ssyncadd.s32 @p0 $0xFFFFCE00;
	s0 =	sshra.s32 @p0 s1, $0x2;
	s1 =	simm.s32 @p0 $0xC8  }
0x1e: {  	[tilespmem:s28], [sflag:$0x3] =	stream.indirect.gather @p0 [hbm4b:s5+s1], $0x40, s0, s1, $0xb8;
	[tilespmem:$0x15E00] =	vst v63  }
0x1f: {  	s0 =	simm.s32 @p0 $0x8;
	s28 =	sor.u32 @p0 $0x3, s29  }
0x20: {  	s1 =	smul.u32 @!p0 $0x320, s26;
	_ =	swait.ge @p0 [sflag:s0], $0x3200;
	s28 =	simm.s32 @!p0 $0x3  }
0x21: {  	s30 =	simm.s32 @!p0 $0xC800;
	[sflag:s0] =	ssyncset.done @p0 $0x0;
	s31 =	smul.u32 $0x320, s28  }
0x22: {  	[sflag:s0] =	ssyncadd.s32 @p0 $0xFFFFCE00;
	s0 =	sshra.s32 @!p0 s1, $0x2;
	s1 =	simm.s32 @!p0 $0xC8  }
0x23: {  	[tilespmem:s30], [sflag:$0x3] =	stream.indirect.gather @!p0 [hbm4b:s5+s1], $0x40, s0, s1, $0xb8;
	[tilespmem:$0x15E00] =	vst v63  }
0x24: {  	s1 =	sshra.s32 s31, $0x2  }
0x25: {  	[tilespmem:s14], [sflag:$0x4] =	stream.indirect.gather [hbm4b:s5+s11], $0x40, s1, s11, $0xb8;
	[tilespmem:$0x15E00] =	vst v63  }
0x26: {  	_ =	swait.ge [sflag:s15], $0x3200  }
0x27: {  	[sflag:s15] =	ssyncset.done $0x0  }
0x28: {  	[sflag:s15] =	ssyncadd.s32 $0xFFFFCE00  }
0x29: {  	_ =	swait.ge [sflag:s16], $0x3200  }
0x2a: {  	[sflag:s16] =	ssyncset.done $0x0  }
0x2b: {  	s30 =	simm.s32 $0x12C40;
	[sflag:s16] =	ssyncadd.s32 $0xFFFFCE00  }
0x2c: {  	s31 =	simm.s32 $0x9670;
	v0 =	vld [tilespmem:s30+$0xFFFFFFC0]  }
0x2d: {  	v1 =	vld [tilespmem:s31+$0xFFFFCD90]  }
0x2e: {  	v2 =	vld [tilespmem:s31+$0xFFFFFF90];
	_ =	sdelay $0x3  }
0x2f: {  	v1 =	vadd.f32 v1, v0  }
0x30: {  	v0 =	vadd.f32 v2, v0  }
0x31: {  	[tilespmem:s31+$0xFFFFCD90] =	vst v1  }
0x32: {  	[tilespmem:s31+$0xFFFFFF90] =	vst v0;
	v0 =	vld [tilespmem:s31+$0xFFFFCDA0]  }
0x33: {  	v1 =	vld [tilespmem:s30+$0xFFFFFFD0]  }
0x34: {  	v2 =	vld [tilespmem:s31+$0xFFFFFFA0];
	_ =	sdelay $0x3  }
0x35: {  	v0 =	vadd.f32 v0, v1  }
0x36: {  	v1 =	vadd.f32 v2, v1  }
0x37: {  	[tilespmem:s31+$0xFFFFCDA0] =	vst v0  }
0x38: {  	[tilespmem:s31+$0xFFFFFFA0] =	vst v1;
	v1 =	vld [tilespmem:s31+$0xFFFFCDB0]  }
0x39: {  	v2 =	vld [tilespmem:s30+$0xFFFFFFE0]  }
0x3a: {  	v0 =	vld [tilespmem:s31+$0xFFFFFFB0];
	_ =	sdelay $0x3  }
0x3b: {  	v1 =	vadd.f32 v1, v2  }
0x3c: {  	v0 =	vadd.f32 v0, v2  }
0x3d: {  	[tilespmem:s31+$0xFFFFCDB0] =	vst v1  }
0x3e: {  	[tilespmem:s31+$0xFFFFFFB0] =	vst v0;
	v0 =	vld [tilespmem:s31+$0xFFFFCDC0]  }
0x3f: {  	v2 =	vld [tilespmem:s30+$0xFFFFFFF0]  }
0x40: {  	v1 =	vld [tilespmem:s31+$0xFFFFFFC0];
	_ =	sdelay $0x3  }
0x41: {  	v0 =	vadd.f32 v0, v2  }
0x42: {  	v1 =	vadd.f32 v1, v2  }
0x43: {  	[tilespmem:s31+$0xFFFFCDC0] =	vst v0  }
0x44: {  	[tilespmem:s31+$0xFFFFFFC0] =	vst v1;
	v1 =	vld [tilespmem:s31+$0xFFFFCDD0]  }
0x45: {  	v2 =	vld [tilespmem:s30+$0x0]  }
0x46: {  	v0 =	vld [tilespmem:s31+$0xFFFFFFD0];
	_ =	sdelay $0x3  }
0x47: {  	v1 =	vadd.f32 v1, v2  }
0x48: {  	v0 =	vadd.f32 v0, v2  }
0x49: {  	[tilespmem:s31+$0xFFFFCDD0] =	vst v1  }
0x4a: {  	[tilespmem:s31+$0xFFFFFFD0] =	vst v0;
	v0 =	vld [tilespmem:s31+$0xFFFFCDE0]  }
0x4b: {  	v2 =	vld [tilespmem:s30+$0x10]  }
0x4c: {  	v1 =	vld [tilespmem:s31+$0xFFFFFFE0];
	_ =	sdelay $0x3  }
0x4d: {  	v0 =	vadd.f32 v0, v2  }
0x4e: {  	v1 =	vadd.f32 v1, v2  }
0x4f: {  	[tilespmem:s31+$0xFFFFCDE0] =	vst v0  }
0x50: {  	[tilespmem:s31+$0xFFFFFFE0] =	vst v1;
	v0 =	vld [tilespmem:s31+$0xFFFFCDF0]  }
0x51: {  	v1 =	vld [tilespmem:s30+$0x20]  }
0x52: {  	v2 =	vld [tilespmem:s31+$0xFFFFFFF0];
	_ =	sdelay $0x3  }
0x53: {  	v0 =	vadd.f32 v0, v1  }
0x54: {  	v1 =	vadd.f32 v2, v1  }
0x55: {  	[tilespmem:s31+$0xFFFFCDF0] =	vst v0;
	v0 =	vld [tilespmem:s31+$0xFFFFCE00]  }
0x56: {  	[tilespmem:s31+$0xFFFFFFF0] =	vst v1;
	v1 =	vld [tilespmem:s31+$0x0]  }
0x57: {  	s0 =	simm.s32 $0x0;
	s1 =	simm.s32 $0x9670;
	v2 =	vld [tilespmem:s30+$0x30]  }
.LBB2_3:
0x58: {  	s0 =	sadd.s32 $0x2, s0;
	s31 =	sadd.s32 $0x80, s31;
	s30 =	sadd.s32 $0x80, s30  }
0x59: {  	p0 =	slt.u32 s0, $0xC6;
	_ =	sdelay $0x2  }
0x5a: {  	v0 =	vadd.f32 v0, v2;
	v1 =	vadd.f32 v1, v2;
	_ =	sdelay $0x1  }
0x5b: {  	[tilespmem:s1+$0xFFFFCE00] =	vst v0  }
0x5c: {  	v0 =	vld [tilespmem:s31+$0xFFFFFF90];
	[tilespmem:s1+$0x0] =	vst v1;
	s1 =	smov.u32 s31  }
0x5d: {  	v1 =	vld [tilespmem:s30+$0xFFFFFFC0]  }
0x5e: {  	v2 =	vld [tilespmem:s31+$0xFFFFCD90];
	_ =	sdelay $0x3  }
0x5f: {  	v0 =	vadd.f32 v0, v1  }
0x60: {  	v1 =	vadd.f32 v2, v1  }
0x61: {  	[tilespmem:s31+$0xFFFFFF90] =	vst v0;
	v0 =	vld [tilespmem:s31+$0xFFFFFFA0]  }
0x62: {  	[tilespmem:s31+$0xFFFFCD90] =	vst v1;
	v1 =	vld [tilespmem:s31+$0xFFFFCDA0]  }
0x63: {  	v2 =	vld [tilespmem:s30+$0xFFFFFFD0];
	_ =	sdelay $0x4  }
0x64: {  	v1 =	vadd.f32 v1, v2;
	v0 =	vadd.f32 v0, v2;
	_ =	sdelay $0x1  }
0x65: {  	[tilespmem:s31+$0xFFFFCDA0] =	vst v1;
	v1 =	vld [tilespmem:s31+$0xFFFFFFB0]  }
0x66: {  	[tilespmem:s31+$0xFFFFFFA0] =	vst v0;
	v0 =	vld [tilespmem:s31+$0xFFFFCDB0]  }
0x67: {  	v2 =	vld [tilespmem:s30+$0xFFFFFFE0];
	_ =	sdelay $0x4  }
0x68: {  	v0 =	vadd.f32 v0, v2;
	v1 =	vadd.f32 v1, v2;
	_ =	sdelay $0x1  }
0x69: {  	[tilespmem:s31+$0xFFFFCDB0] =	vst v0;
	v0 =	vld [tilespmem:s31+$0xFFFFFFC0]  }
0x6a: {  	[tilespmem:s31+$0xFFFFFFB0] =	vst v1;
	v1 =	vld [tilespmem:s31+$0xFFFFCDC0]  }
0x6b: {  	v2 =	vld [tilespmem:s30+$0xFFFFFFF0];
	_ =	sdelay $0x4  }
0x6c: {  	v1 =	vadd.f32 v1, v2;
	v0 =	vadd.f32 v0, v2;
	_ =	sdelay $0x1  }
0x6d: {  	[tilespmem:s31+$0xFFFFCDC0] =	vst v1;
	v1 =	vld [tilespmem:s31+$0xFFFFFFD0]  }
0x6e: {  	[tilespmem:s31+$0xFFFFFFC0] =	vst v0;
	v0 =	vld [tilespmem:s31+$0xFFFFCDD0]  }
0x6f: {  	v2 =	vld [tilespmem:s30+$0x0];
	_ =	sdelay $0x4  }
0x70: {  	v0 =	vadd.f32 v0, v2;
	v1 =	vadd.f32 v1, v2;
	_ =	sdelay $0x1  }
0x71: {  	[tilespmem:s31+$0xFFFFCDD0] =	vst v0;
	v0 =	vld [tilespmem:s31+$0xFFFFFFE0]  }
0x72: {  	[tilespmem:s31+$0xFFFFFFD0] =	vst v1;
	v1 =	vld [tilespmem:s31+$0xFFFFCDE0]  }
0x73: {  	v2 =	vld [tilespmem:s30+$0x10];
	_ =	sdelay $0x3  }
0x74: {  	v3 =	vld [tilespmem:s31+$0xFFFFFFF0]  }
0x75: {  	v1 =	vadd.f32 v1, v2;
	v0 =	vadd.f32 v0, v2;
	_ =	sdelay $0x1  }
0x76: {  	[tilespmem:s31+$0xFFFFCDE0] =	vst v1  }
0x77: {  	[tilespmem:s31+$0xFFFFFFE0] =	vst v0;
	v0 =	vld [tilespmem:s31+$0xFFFFCDF0]  }
0x78: {  	v1 =	vld [tilespmem:s30+$0x20];
	_ =	sdelay $0x4  }
.Ltmp0:
0x79: {  	v0 =	vadd.f32 v0, v1;
	v1 =	vadd.f32 v3, v1;
	(pc) =	sbr.rel @p0 .LBB2_3-.Ltmp0, $4  }
0x7a: {  	_ = 	snop  }
0x7b: {  	[tilespmem:s31+$0xFFFFCDF0] =	vst v0;
	v0 =	vld [tilespmem:s31+$0xFFFFCE00]  }
0x7c: {  	[tilespmem:s31+$0xFFFFFFF0] =	vst v1;
	v1 =	vld [tilespmem:s31+$0x0]  }
0x7d: {  	v2 =	vld [tilespmem:s30+$0x30]  }
0x7e: {  	_ =	sdelay $0x3  }
0x7f: {  	s0 =	sadd.s32 s3, s29;
	v0 =	vadd.f32 v0, v2  }
0x80: {  	s0 =	smul.u32 $0x640, s0;
	v1 =	vadd.f32 v1, v2  }
0x81: {  	[tilespmem:s1+$0xFFFFCE00] =	vst v0  }
0x82: {  	s0 =	sadd.s32 s2, s0;
	[tilespmem:s1+$0x0] =	vst v1  }
0x83: {  	[hbm4b:s0+s4] =	stream.linear.scatter [tilespmem:s12], [sflag:$0x5], $0x3200, $0x38;
	[tilespmem:$0x15E00] =	vst v63  }
0x84: {  	p0 =	seq.s32 s25, $0x1F;
	s0 =	sadd.s32 $0x640, s0  }
0x85: {  	[hbm4b:s0+s4] =	stream.linear.scatter [tilespmem:s13], [sflag:$0x6], $0x3200, $0x38;
	[tilespmem:$0x15E00] =	vst v63  }
0x86: {  	s0 =	simm.s32 @!p0 $0x5  }
0x87: {  	s1 =	smul.u32 @!p0 $0xC80, s25;
	_ =	swait.ge @!p0 [sflag:s0], $0x3200  }
0x88: {  	[sflag:s0] =	ssyncset.done @!p0 $0x0  }
0x89: {  	[sflag:s0] =	ssyncadd.s32 @!p0 $0xFFFFCE00;
	s0 =	sshra.s32 @!p0 s1, $0x2  }
0x8a: {  	s29 =	simm.s32 @!p0 $0xC8;
	s30 =	simm.s32 @!p0 $0x6400;
	s1 =	sadd.s32 @!p0 $0x320, s0  }
0x8b: {  	[tilespmem:s30], [sflag:$0x1] =	stream.indirect.gather @!p0 [hbm4b:s5+s29], $0x40, s1, s29, $0xb8;
	[tilespmem:$0x15E00] =	vst v63  }
0x8c: {  	s1 =	simm.s32 @!p0 $0x6  }
0x8d: {  	_ =	swait.ge @!p0 [sflag:s1], $0x3200  }
0x8e: {  	[sflag:s1] =	ssyncset.done @!p0 $0x0  }
0x8f: {  	s0 =	sadd.s32 @!p0 $0x3E8, s0;
	[sflag:s1] =	ssyncadd.s32 @!p0 $0xFFFFCE00;
	s1 =	simm.s32 @!p0 $0x9600  }
0x90: {  	[tilespmem:s1], [sflag:$0x2] =	stream.indirect.gather @!p0 [hbm4b:s5+s29], $0x40, s0, s29, $0xb8;
	[tilespmem:$0x15E00] =	vst v63  }
0x91: {  	_ =	swait.ge [sflag:s17], $0x3200  }
0x92: {  	[sflag:s17] =	ssyncset.done $0x0  }
0x93: {  	[sflag:s17] =	ssyncadd.s32 $0xFFFFCE00  }
0x94: {  	_ =	swait.ge [sflag:s18], $0x3200  }
0x95: {  	[sflag:s18] =	ssyncset.done $0x0  }
0x96: {  	s29 =	simm.s32 $0x0;
	[sflag:s18] =	ssyncadd.s32 $0xFFFFCE00  }
0x97: {  	v6 =	vld [tilespmem:s29+$0xC850]  }
0x98: {  	v10 =	vld [tilespmem:s29+$0x12C50]  }
0x99: {  	v7 =	vld [tilespmem:s29+$0xFA40]  }
0x9a: {  	v5 =	vld [tilespmem:s29+$0xC840]  }
0x9b: {  	v2 =	vld [tilespmem:s29+$0xC870]  }
0x9c: {  	v8 =	vld [tilespmem:s29+$0x12C40]  }
0x9d: {  	v0 =	vld [tilespmem:s29+$0x12C70]  }
0x9e: {  	v1 =	vld [tilespmem:s29+$0xFA60]  }
0x9f: {  	v4 =	vld [tilespmem:s29+$0xFA30]  }
0xa0: {  	v11 =	vld [tilespmem:s29+$0xFA20]  }
0xa1: {  	v3 =	vld [tilespmem:s29+$0xC810]  }
0xa2: {  	v13 =	vld [tilespmem:s29+$0xC820]  }
0xa3: {  	v12 =	vld [tilespmem:s29+$0xFA00]  }
0xa4: {  	v14 =	vld [tilespmem:s29+$0x12C00];
	v9 =	vadd.f32 v2, v0  }
0xa5: {  	v2 =	vld [tilespmem:s29+$0x12C30]  }
0xa6: {  	[tilespmem:s29+$0xC870] =	vst v9;
	v9 =	vld [tilespmem:s29+$0xC800]  }
0xa7: {  	v15 =	vld [tilespmem:s29+$0xFA50]  }
0xa8: {  	v16 =	vld [tilespmem:s29+$0x12C20];
	v18 =	vadd.f32 v5, v8  }
0xa9: {  	v5 =	vld [tilespmem:s29+$0x12C10];
	v8 =	vadd.f32 v7, v8  }
0xaa: {  	[tilespmem:s29+$0xC840] =	vst v18;
	v17 =	vadd.f32 v4, v2;
	v4 =	vld [tilespmem:s29+$0xFA10]  }
0xab: {  	v7 =	vld [tilespmem:s29+$0x12C60];
	[tilespmem:s29+$0xFA40] =	vst v8;
	v63 =	vadd.f32 v9, v14;
	v9 =	vadd.f32 v12, v14  }
0xac: {  	v8 =	vld [tilespmem:s29+$0xC860];
	[tilespmem:s29+$0xFA30] =	vst v17;
	v12 =	vadd.f32 v6, v10;
	v10 =	vadd.f32 v15, v10  }
0xad: {  	s0 =	simm.s32 $0x0;
	s1 =	simm.s32 $0x200;
	v6 =	vadd.f32 v13, v16;
	v13 =	vadd.f32 v11, v16;
	v11 =	vld [tilespmem:s29+$0xC830];
	[tilespmem:s29+$0xC800] =	vst v63  }
.LBB2_5:
0xae: {  	s30 =	sshra.s32 s1, $0x2;
	s0 =	sadd.s32 $0x2, s0;
	[tilespmem:s29+$0xC850] =	vst v12;
	v12 =	vld [tilespmem:s29+$0xFA70]  }
0xaf: {  	v14 =	vld [tilespmem:s30+$0xC850];
	p0 =	slt.u32 s0, $0xC6;
	v3 =	vadd.f32 v3, v5;
	v4 =	vadd.f32 v4, v5;
	[tilespmem:s29+$0xFA20] =	vst v13  }
0xb0: {  	v13 =	vld [tilespmem:s30+$0x12C50];
	[tilespmem:s29+$0xFA00] =	vst v9;
	v1 =	vadd.f32 v1, v7  }
0xb1: {  	v9 =	vld [tilespmem:s30+$0xFA40];
	[tilespmem:s29+$0xFA50] =	vst v10;
	v5 =	vadd.f32 v8, v7  }
0xb2: {  	v7 =	vld [tilespmem:s30+$0xC840];
	v2 =	vadd.f32 v11, v2;
	[tilespmem:s29+$0xFA60] =	vst v1  }
0xb3: {  	v8 =	vld [tilespmem:s30+$0xC870];
	[tilespmem:s29+$0xC810] =	vst v3;
	v1 =	vadd.f32 v12, v0  }
0xb4: {  	v10 =	vld [tilespmem:s30+$0x12C40];
	[tilespmem:s29+$0xC830] =	vst v2  }
0xb5: {  	v0 =	vld [tilespmem:s30+$0x12C70];
	[tilespmem:s29+$0xFA70] =	vst v1  }
0xb6: {  	v1 =	vld [tilespmem:s30+$0xFA60];
	[tilespmem:s29+$0xC820] =	vst v6  }
0xb7: {  	v6 =	vld [tilespmem:s30+$0xFA30];
	[tilespmem:s29+$0xC860] =	vst v5  }
0xb8: {  	v11 =	vld [tilespmem:s30+$0xFA20];
	[tilespmem:s29+$0xFA10] =	vst v4;
	s29 =	smov.u32 s30  }
0xb9: {  	v3 =	vld [tilespmem:s29+$0xC810]  }
0xba: {  	v15 =	vld [tilespmem:s29+$0xC820];
	v4 =	vadd.f32 v8, v0  }
0xbb: {  	v2 =	vld [tilespmem:s29+$0x12C30]  }
0xbc: {  	v8 =	vld [tilespmem:s29+$0xFA00];
	[tilespmem:s29+$0xC870] =	vst v4  }
0xbd: {  	v12 =	vld [tilespmem:s29+$0xC800]  }
0xbe: {  	v16 =	vld [tilespmem:s29+$0x12C00]  }
0xbf: {  	v17 =	vld [tilespmem:s29+$0xFA50]  }
0xc0: {  	v18 =	vld [tilespmem:s29+$0x12C20];
	v6 =	vadd.f32 v6, v2  }
.Ltmp1:
0xc1: {  	v7 =	vadd.f32 v7, v10;
	v4 =	vld [tilespmem:s29+$0xFA10];
	(pc) =	sbr.rel @p0 .LBB2_5-.Ltmp1, $4  }
0xc2: {  	v5 =	vld [tilespmem:s29+$0x12C10];
	[tilespmem:s29+$0xFA30] =	vst v6;
	v6 =	vadd.f32 v9, v10  }
0xc3: {  	v19 =	vadd.f32 v12, v16;
	v9 =	vadd.f32 v8, v16;
	[tilespmem:s29+$0xC840] =	vst v7;
	v7 =	vld [tilespmem:s29+$0x12C60]  }
0xc4: {  	v12 =	vadd.f32 v14, v13;
	[tilespmem:s29+$0xFA40] =	vst v6;
	v10 =	vadd.f32 v17, v13;
	v8 =	vld [tilespmem:s29+$0xC860]  }
0xc5: {  	s1 =	sadd.s32 $0x200, s1;
	[tilespmem:s29+$0xC800] =	vst v19;
	v6 =	vadd.f32 v15, v18;
	v13 =	vadd.f32 v11, v18;
	v11 =	vld [tilespmem:s29+$0xC830]  }
0xc6: {  	[tilespmem:s29+$0xC850] =	vst v12  }
0xc7: {  	[tilespmem:s29+$0xFA00] =	vst v9  }
0xc8: {  	[tilespmem:s29+$0xFA50] =	vst v10  }
0xc9: {  	v61 =	vld [tilespmem:s29+$0xFA70];
	[tilespmem:s29+$0xFA20] =	vst v13;
	v3 =	vadd.f32 v3, v5  }
0xca: {  	v63 =	vadd.f32 v4, v5;
	[tilespmem:s29+$0xC820] =	vst v6  }
0xcb: {  	v1 =	vadd.f32 v1, v7;
	[tilespmem:s29+$0xC810] =	vst v3  }
0xcc: {  	v62 =	vadd.f32 v8, v7;
	[tilespmem:s29+$0xFA10] =	vst v63  }
0xcd: {  	s0 =	sadd.s32 s3, s26;
	s25 =	sadd.s32 $0x1, s25;
	v2 =	vadd.f32 v11, v2;
	[tilespmem:s29+$0xFA60] =	vst v1  }
0xce: {  	s0 =	smul.u32 $0x640, s0;
	p0 =	sne.s32 s25, $0x20;
	v0 =	vadd.f32 v61, v0;
	[tilespmem:s29+$0xC860] =	vst v62  }
.Ltmp2:
0xcf: {  	s1 =	sadd.s32 s3, s28;
	[tilespmem:s29+$0xC830] =	vst v2;
	(pc) =	sbr.rel @p0 .LBB2_2-.Ltmp2, $4  }
0xd0: {  	s1 =	smul.u32 $0x640, s1;
	s0 =	sadd.s32 s2, s0;
	[tilespmem:s29+$0xFA70] =	vst v0  }
0xd1: {  	[hbm4b:s0+s4] =	stream.linear.scatter [tilespmem:s19], [sflag:$0x7], $0x3200, $0x38;
	[tilespmem:$0x15E00] =	vst v63  }
0xd2: {  	s31 =	sadd.s32 s2, s1  }
0xd3: {  	[hbm4b:s31+s4] =	stream.linear.scatter [tilespmem:s14], [sflag:$0x8], $0x3200, $0x38;
	[tilespmem:$0x15E00] =	vst v63  }
0xd4: {  	_ =	swait.ge [sflag:s20], $0x3200  }
0xd5: {  	[sflag:s20] =	ssyncset.done $0x0  }
0xd6: {  	[sflag:s20] =	ssyncadd.s32 $0xFFFFCE00  }
0xd7: {  	_ =	swait.ge [sflag:s21], $0x3200  }
0xd8: {  	[sflag:s21] =	ssyncset.done $0x0  }
0xd9: {  	s24 =	sadd.s32 $0x1, s24;
	[sflag:s21] =	ssyncadd.s32 $0xFFFFCE00  }
0xda: {  	p0 =	sne.s32 s24, s8;
	_ =	swait.ge [sflag:s22], $0x3200  }
.Ltmp3:
0xdb: {  	[sflag:s22] =	ssyncset.done $0x0;
	(pc) =	sbr.rel @p0 .LBB2_1-.Ltmp3, $4  }
0xdc: {  	[sflag:s22] =	ssyncadd.s32 $0xFFFFCE00  }
0xdd: {  	_ =	swait.ge [sflag:s23], $0x3200  }
0xde: {  	[sflag:s23] =	ssyncset.done $0x0  }
0xdf: {  	[sflag:s23] =	ssyncadd.s32 $0xFFFFCE00  }
0xe0: {  	_ =	sfence.sel $0x180000  }
0xe1: {  	[bflag:$0x0] =	sbarrier.arrive $0xFFFF  }
0xe2: {  	_ =	strace $0x90000047  }
0xe3: {  	s0 =	stileid.u32;
	[bflag:$0x2] =	sbarrier.arrive $0xFFFF  }
0xe4: {  	p0 =	sne.s32 s0, $0x0;
	s0 =	rddreg [dreg:$0x2]  }
0xe5: {  	s0 =	sadd.s32 @!p0 $0x100000, s0  }
0xe6: {  	[sflag:s0] =	ssyncadd.tile.s32 @!p0 $0x1;
	_ =	shalt  }
.Lfunc_end2:
_tile_overlayer_lowered:
.L_overlay_start_2:
0xe7: {  	(tag) =	ssettag $0x2  }
0xe8: {  	s0 =	rddreg [dreg:$0x0];
	s2 =	stileid.u32  }
0xe9: {  	s1 =	rddreg [dreg:$0x1];
	p0 =	sne.s32 s2, $0x0  }
0xea: {  	s3 =	rddreg [dreg:$0x2];
	[bflag:$0x3] =	sbarrier.arrive $0xFFFF;
	s2 =	simm.s32 @!p0 $0x1C09  }
0xeb: {  	[timem:s3], [sflag:s2] =	dma.local @!p0 [hbm:s0], s1  }
0xec: {  	s0 =	simm.s32 @!p0 $0x9  }
0xed: {  	_ =	swait.ge @!p0 [sflag:s0], s1  }
0xee: {  	s1 =	ssub.s32 @!p0 $0x0, s1;
	[sflag:s0] =	ssyncset.done @!p0 $0x0  }
0xef: {  	[sflag:s0] =	ssyncadd.s32 @!p0 s1  }
0xf0: {  	[bflag:$0x3] =	sbarrier.arrive $0xFFFF  }
0xf1: {  	_ =	shalt  }

// kernel: sparse-core-data-format-call.cloned.1.call-start
scs
called_computation_lowered:
.L_overlay_start_0:
0x0: {  	s2 =	sld [smem:$0x3FD9]  }
0x1: {  	s3 =	sld [smem:$0x3FFE];
	_ =	sdelay $0x1  }
0x2: {  	s1 =	srdreg.scid  }
0x3: {  	s0 =	sand.u32 $0x1, s1  }
0x4: {  	s18 =	sshll.u32 s0, $0xA;
	s2 =	sadd.s32 s3, s2  }
0x5: {  	s2 =	sadd.s32 s2, s18  }
0x6: {  	[smem:$0x3FC6] =	sst s2  }
0x7: {  	_ = 	snop  }
0x8: {  	s2 =	sld [smem:$0x3FD0];
	(tm) =	ssettm $0x1  }
0x9: {  	s19 =	sld [smem:$0x3FFB];
	_ =	sdelay $0x3  }
0xa: {  	_ =	strace s19  }
0xb: {  	s3 =	sld [smem:$0x3FFC];
	_ =	sdelay $0x3  }
0xc: {  	_ =	strace s3  }
0xd: {  	s3 =	sld [smem:$0x3FFD];
	_ =	sdelay $0x3  }
0xe: {  	_ =	strace s3  }
0xf: {  	_ =	strace $0x8FFFFFFF  }
0x10: {  	s20 =	sld [smem:$0x3FDB];
	_ =	sdelay $0x1  }
0x11: {  	s4 =	simm.s32 $_scs_section_size  }
0x12: {  	s5 =	simm.s32 $_size__tile_overlayer_lowered;
	s6 =	simm.s32 $_tile_overlayer_lowered  }
0x13: {  	s23 =	simm.s32 $0x1BFF;
	s22 =	sshll.u32 s6, $0x1;
	s3 =	sadd.s32 s4, s20  }
0x14: {  	s7 =	simm.s32 $0x0;
	s21 =	sshll.u32 s5, $0x1;
	s5 =	sadd.s32 s22, s3  }
0x15: {  	[timem:s7], [sflag:s23] =	dma.local [hbm:s5], s21  }
0x16: {  	_ =	swait.ge [sflag:s23], s21  }
0x17: {  	s4 =	ssub.s32 $0x0, s21;
	[sflag:s23] =	ssyncset.done $0x0  }
0x18: {  	[sflag:s23] =	ssyncadd.s32 s4;
	_ =	sdelay $0x1  }
0x19: {  	s24 =	simm.s32 $0x1B8B  }
0x1a: {  	_ =	swait.ge [sflag:s24], $0x1  }
0x1b: {  	[sflag:s24] =	ssyncset.done $0x0  }
0x1c: {  	s26 =	simm.s32 $0x1B8E;
	s25 =	sld [smem:$0x3FFE];
	[sflag:s24] =	ssyncadd.s32 $0xFFFFFFFF  }
0x1d: {  	s27 =	simm.s32 $execute0_lowered;
	[smem:$0x3FD2] =	sst s26  }
0x1e: {  	s5 =	sshll.u32 s27, $0x1;
	_ =	strace $0x80000049;
	[dreg:$0x1] =	wrdreg $0xFFFFFFFF  }
0x1f: {  	s28 =	simm.s32 $_size_execute0_lowered;
	s3 =	sadd.s32 s3, s5;
	[dreg:$0x0] =	wrdreg $0x0  }
0x20: {  	s5 =	sshll.u32 s28, $0x1;
	[dreg:$0x2] =	wrdreg s3  }
0x21: {  	[dreg:$0x3] =	wrdreg s5  }
0x22: {  	[dreg:$0x4] =	wrdreg $0xC0  }
0x23: {  	_ =	task [dreg:s7], $0x5FFFF  }
0x24: {  	[dreg:$0x1] =	wrdreg $0xFFFFFFFF  }
0x25: {  	[dreg:$0x0] =	wrdreg $0x60  }
0x26: {  	[dreg:$0x2] =	wrdreg s25  }
0x27: {  	[dreg:$0x3] =	wrdreg s2  }
0x28: {  	[dreg:$0x4] =	wrdreg $0x9  }
0x29: {  	_ =	task.clear_ibuf [dreg:s7], $0x5FFFF;
	_ =	strace $0x90000049  }
0x2a: {  	s29 =	simm.s32 $0x9;
	_ =	strace $0x8000004B  }
0x2b: {  	_ =	swait.ge [sflag:s29], $0x1  }
0x2c: {  	[sflag:s29] =	ssyncadd.s32 $0xFFFFFFFF  }
0x2d: {  	_ =	strace $0x9000004B  }
0x2e: {  	_ =	sfence  }
0x2f: {  	s30 =	sld [smem:$0x0];
	_ =	sdelay $0x2  }
0x30: {  	s31 =	sshll.u32 s1, $0xD;
	s1 =	sshrl.u32 s1, $0x2  }
0x31: {  	s3 =	sand.u32 $0x4000, s31;
	s1 =	sadd.s32 s1, s30  }
0x32: {  	s0 =	sor.u32 s3, s0;
	s1 =	sshll.u32 s1, $0x11  }
0x33: {  	s0 =	sor.u32 s1, s0  }
0x34: {  	s0 =	sadd.s32 $0x8F2B, s0  }
0x35: {  	[sflag:s0] =	ssyncadd.remote.s32 $0x1  }
0x36: {  	_ =	sfence.sel $0xFFFF  }
0x37: {  	[dreg:$0x0] =	wrdreg $0xFFFFFFFF;
	(pc) =	sbr.abs _section_cstart, $3  }
0x38: {  	[dreg:$0x1] =	wrdreg $0xFFFFFFFF  }
0x39: {  	_ =	task.clear_ibuf [dreg:s7], $0x2FFFF;
	_ =	strace $0x9FFFFFFF  }
0x3a: {  	(tm) =	ssettm $0x7FFFFFFF  }
0x3b: {  	_ =	shalt  }
tec
execute0_lowered:
.L_overlay_start_1:
0x0: {  	(tag) =	ssettag $0x1  }
0x1: {  	s0 =	srdreg.scid  }
0x2: {  	s1 =	sshll.u32 s0, $0x4  }
0x3: {  	s0 =	stileid.u32;
	s1 =	sand.u32 $0x10, s1  }
0x4: {  	s1 =	sor.u32 s0, s1  }
0x5: {  	s6 =	rddreg [dreg:$0x0];
	s4 =	simm.s32 $0x1;
	s2 =	sshll.u32 s1, $0x7  }
0x6: {  	s7 =	simm.s32 $0x2;
	s12 =	simm.s32 $0x0;
	s1 =	ssub.s32 $0x1000, s2  }
0x7: {  	s8 =	simm.s32 $0x8000;
	s13 =	simm.s32 $0x0;
	s3 =	sand.u32 $0xF80, s1  }
0x8: {  	s9 =	simm.s32 $0x0;
	s5 =	sshrl.u32 s1, $0xC;
	p0 =	sne.s32 s3, $0x0  }
.Ltmp0:
0x9: {  	s1 =	rddreg [dreg:$0x2];
	s4 =	simm.s32 @!p0 $0x0;
	(pc) =	sbr.rel .LBB1_1-.Ltmp0, $4  }
0xa: {  	s11 =	simm.s32 $0x0;
	s3 =	rddreg [dreg:$0x1];
	s5 =	sadd.s32 s4, s5  }
0xb: {  	_ =	strace $0x8000004A;
	s4 =	simm.s32 $0x1;
	s5 =	smul.u32 $0xC8, s5  }
0xc: {  	s6 =	sadd.s32 $0xC00, s6;
	s10 =	smov.u32 s2;
	[sflag:s4] =	ssyncpa.u1 $0x0  }
0xd: {  	p0 =	por $0x0, $0x0;
	[sflag:s7] =	ssyncpa.u1 $0x0;
	s7 =	sor.u32 $0x1, s5  }
.LBB1_4:
0xe: {  	s16 =	sshll.u32 s13, $0x3;
	s17 =	sand.u32 $0x78, s13  }
0xf: {  	s30 =	sand.u32 $0x7E00, s13;
	s12 =	sshll.u32 s12, $0xF;
	s16 =	sand.u32 $0xC00, s16  }
0x10: {  	[tilespmem:s15+$0x810 ss:$0x81] =	vst.msk $0xffff, v2;
	s31 =	sand.u32 $0x7, s13;
	s16 =	sor.u32 s17, s16;
	s17 =	sadd.s32 s3, s30  }
0x11: {  	[tilespmem:s15+$0x1020 ss:$0x81] =	vst.msk $0xffff, v0;
	s13 =	sshll.u32 s31, $0x12;
	s12 =	sadd.s32 s12, s17;
	s16 =	sshrl.u32 s16, $0x3  }
0x12: {  	[tilespmem:s15+$0x0 ss:$0x81] =	vst.msk $0xffff, v1;
	s13 =	sor.u32 $0x400, s13;
	s12 =	sadd.s32 s16, s12  }
0x13: {  	[hbm4b:s12+s13] =	stream.strided.scatter [tilespmem:s14], [sflag:$0x2], $0x2000, s8, s13, $0x20;
	[tilespmem:$0x8080] =	vst v63  }
.LBB1_5:
0x14: {  	s14 =	sadd.s32 $0x1, s9  }
0x15: {  	s12 =	sadd.s32 $0x1000, s10;
	s16 =	smov.u32 s10;
	p2 =	sgt.s32 s14, $0xC7  }
0x16: {  	s16 =	smov.u32 @p2 s12  }
0x17: {  	s14 =	simm.s32 @p2 $0x0;
	p2 =	sgt.s32 s16, $0xFFF  }
0x18: {  	s16 =	smov.u32 @p2 s2;
	p2 =	sne.s32 s11, s7  }
.Ltmp1:
0x19: {  	p1 =	slt.u32 s11, $0x2;
	(pc) =	sbr.rel @!p2 .LBB1_6-.Ltmp1, $4  }
0x1a: {  	s15 =	simm.s32 @!p1 $0x2  }
0x1b: {  	s13 =	smov.u32 s10;
	p0 =	por !p0, !p0;
	_ =	swait.ge @!p1 [sflag:s15], $0x2000  }
0x1c: {  	s12 =	smov.u32 s9;
	[sflag:s15] =	ssyncset.done @!p1 $0x0;
	s9 =	smov.u32 s14  }
0x1d: {  	s11 =	sadd.s32 $0x1, s11;
	[sflag:s15] =	ssyncadd.s32 @!p1 $0xFFFFE000;
	s10 =	smov.u32 s16  }
.LBB1_1:
0x1e: {  	p1 =	sge.u32 s11, s5  }
0x1f: {  	s14 =	sand.u32 @!p1 $0x1FFFFFF, s9  }
0x20: {  	s15 =	smulhi.u32 @!p1 $0x147AE15, s14;
	_ =	sdelay $0x1  }
0x21: {  	s15 =	smul.u32 @!p1 $0xC8, s15  }
0x22: {  	s16 =	sxor.u32 @!p1 $0xFFFFFFFF, s11;
	s17 =	smul.u32 @!p1 $0xC80, s10  }
0x23: {  	s31 =	sadd.s32 $0xFFFFFFFF, s11;
	s16 =	sshll.u32 @!p1 s16, $0xD;
	s14 =	ssub.s32 @!p1 s14, s15  }
0x24: {  	s15 =	sand.u32 @!p1 $0x2000, s16;
	s16 =	sadd.s32 @!p1 s6, s17;
	s14 =	sshll.u32 @!p1 s14, $0x4  }
0x25: {  	s17 =	simm.s32 @!p1 $0x6400;
	s14 =	sadd.s32 @!p1 s14, s16;
	s16 =	simm.s32 @!p1 $0x40  }
0x26: {  	[tilespmem:s15], [sflag:$0x1] =	stream.strided.gather @!p1 [hbm4b:s14+s16], $0x2000, s17, s16, $0x38;
	[tilespmem:$0x8080] =	vst v63  }
0x27: {  	p1 =	sge.u32 s31, s5  }
.Ltmp2:
0x28: {  	_ = 	snop;
	(pc) =	sbr.rel @p1 .LBB1_5-.Ltmp2, $1  }
0x29: {  	_ =	sdelay $0x3  }
0x2a: {  	s14 =	simm.s32 $0x1  }
0x2b: {  	_ =	swait.ge [sflag:s4], $0x2000;
	s14 =	simm.s32 @!p0 $0x0  }
0x2c: {  	[sflag:s4] =	ssyncset.done $0x0;
	s15 =	sshll.u32 s14, $0xD  }
0x2d: {  	[sflag:s4] =	ssyncadd.s32 $0xFFFFE000;
	s18 =	sor.u32 $0x20, s15  }
0x2e: {  	s14 =	smul.u32 $0x8100, s14;
	v3 =	vld [tilespmem:s18+$0x10]  }
0x2f: {  	s30 =	sand.u32 $0x1, s11;
	v2 =	vld [tilespmem:s18+$0xFFFFFFF0]  }
0x30: {  	s15 =	smul.u32 $0x8100, s30;
	s14 =	sshrl.u32 s14, $0x2;
	v0 =	vld [tilespmem:s18+$0x0]  }
0x31: {  	v1 =	vld [tilespmem:s18+$0xFFFFFFE0];
	s16 =	sor.u32 $0x4000, s14  }
0x32: {  	s31 =	sshrl.u32 s15, $0x2;
	s15 =	sadd.s32 $0x0, s16  }
0x33: {  	s17 =	simm.s32 $0x4;
	s18 =	sadd.s32 $0x40, s18;
	s14 =	sor.u32 $0x4000, s31;
	[tilespmem:s15+$0x1830 ss:$0x81] =	vst.msk $0xffff, v3  }
.LBB1_3:
0x34: {  	v3 =	vld [tilespmem:s18+$0x10];
	p1 =	sne.s32 s17, $0x1FC;
	[tilespmem:s15+$0x810 ss:$0x81] =	vst.msk $0xffff, v2;
	s19 =	smov.u32 s17;
	s17 =	sadd.s32 $0x4, s17  }
.Ltmp3:
0x35: {  	v2 =	vld [tilespmem:s18+$0xFFFFFFF0];
	[tilespmem:s15+$0x1020 ss:$0x81] =	vst.msk $0xffff, v0;
	(pc) =	sbr.rel @p1 .LBB1_3-.Ltmp3, $4  }
0x36: {  	v0 =	vld [tilespmem:s18+$0x0];
	[tilespmem:s15+$0x0 ss:$0x81] =	vst.msk $0xffff, v1  }
0x37: {  	s15 =	sshra.s32 s19, $0x2;
	v1 =	vld [tilespmem:s18+$0xFFFFFFE0]  }
0x38: {  	s15 =	sadd.s32 s15, s16  }
0x39: {  	s18 =	sadd.s32 $0x40, s18;
	[tilespmem:s15+$0x1830 ss:$0x81] =	vst.msk $0xffff, v3  }
.Ltmp4:
0x3a: {  	_ = 	snop;
	(pc) =	sbr.rel .LBB1_4-.Ltmp4, $1  }
0x3b: {  	_ =	sdelay $0x3  }
.LBB1_6:
0x3c: {  	_ =	sfence.sel $0x180000  }
0x3d: {  	s2 =	simm.s32 $0x1;
	[bflag:$0x0] =	sbarrier.arrive $0xFFFF  }
0x3e: {  	s31 =	simm.s32 $0x2;
	[sflag:s2] =	ssyncpa.u1 $0x1  }
0x3f: {  	[sflag:s31] =	ssyncpa.u1 $0x1  }
0x40: {  	p0 =	sne.s32 s0, $0x0;
	_ =	strace $0x9000004A  }
0x41: {  	s0 =	sadd.s32 @!p0 $0x100000, s1;
	[bflag:$0x2] =	sbarrier.arrive $0xFFFF  }
0x42: {  	[sflag:s0] =	ssyncadd.tile.s32 @!p0 $0x1;
	_ =	shalt  }
.Lfunc_end1:
_tile_overlayer_lowered:
.L_overlay_start_2:
0x43: {  	(tag) =	ssettag $0x2  }
0x44: {  	s0 =	rddreg [dreg:$0x0];
	s2 =	stileid.u32  }
0x45: {  	s1 =	rddreg [dreg:$0x1];
	p0 =	sne.s32 s2, $0x0  }
0x46: {  	s3 =	rddreg [dreg:$0x2];
	[bflag:$0x3] =	sbarrier.arrive $0xFFFF;
	s2 =	simm.s32 @!p0 $0x1C01  }
0x47: {  	[timem:s3], [sflag:s2] =	dma.local @!p0 [hbm:s0], s1  }
0x48: {  	s0 =	simm.s32 @!p0 $0x1  }
0x49: {  	_ =	swait.ge @!p0 [sflag:s0], s1  }
0x4a: {  	s1 =	ssub.s32 @!p0 $0x0, s1;
	[sflag:s0] =	ssyncset.done @!p0 $0x0  }
0x4b: {  	[sflag:s0] =	ssyncadd.s32 @!p0 s1  }
0x4c: {  	[bflag:$0x3] =	sbarrier.arrive $0xFFFF  }
0x4d: {  	_ =	shalt  }

</sc_bundles>
